<compile_context>
chip_gen: v7x
topology: tpu7x:2x2x1
jax: 0.10.2.dev20260603
libtpu: 0.0.44.dev20260713+nightly
codegen_flags: <defaults>
</compile_context>

<pallas_src>
import functools

import jax
import jax.numpy as jnp
from jax import lax
from jax.experimental import pallas as pl
from jax.experimental.pallas import tpu as pltpu
from jax.experimental.pallas import tpu_sc as plsc

N_NODES = 10000
N_EDGES = 320000
CH = 128
OUT_CH = 64

NPAD = 10240
CHUNK = 128
NC = 2
NS = 16
NW = NC * NS
K = 79
EPAD = NW * K * CHUNK
ROWS_PER_TILE = NPAD // NS
BM = 512

_mesh = plsc.VectorSubcoreMesh(core_axis_name="c", subcore_axis_name="s")


@functools.partial(
    pl.kernel,
    out_type=jax.ShapeDtypeStruct((NC, NPAD), jnp.float32),
    mesh=_mesh,
    scratch_types=[
        pltpu.VMEM((K, CHUNK), jnp.int32),
        pltpu.VMEM((CHUNK,), jnp.float32),
        pltpu.VMEM((ROWS_PER_TILE,), jnp.float32),
        pltpu.VMEM_SHARED((NPAD,), jnp.float32),
        pltpu.SemaphoreType.DMA,
    ],
)
def _sc_degree(dstw_hbm, degp_hbm, dst_v, ones_v, zer_v, acc, sem):
    c = lax.axis_index("c")
    s = lax.axis_index("s")
    wid = c * NS + s
    pltpu.sync_copy(dstw_hbm.at[wid], dst_v)

    @pl.loop(0, CHUNK // 16)
    def _fill_ones(j):
        ones_v[pl.ds(j * 16, 16)] = jnp.ones((16,), jnp.float32)

    @pl.loop(0, ROWS_PER_TILE // 16)
    def _fill_zeros(j):
        zer_v[pl.ds(j * 16, 16)] = jnp.zeros((16,), jnp.float32)

    pltpu.sync_copy(zer_v, acc.at[pl.ds(s * ROWS_PER_TILE, ROWS_PER_TILE)])
    plsc.subcore_barrier()

    @pl.loop(0, K)
    def _scatter(j):
        pltpu.sync_copy(ones_v, acc.at[dst_v.at[j]], add=True)

    plsc.subcore_barrier()
    pltpu.sync_copy(acc.at[pl.ds(s * ROWS_PER_TILE, ROWS_PER_TILE)],
                    degp_hbm.at[c, pl.ds(s * ROWS_PER_TILE, ROWS_PER_TILE)])


@functools.partial(
    pl.kernel,
    out_type=jax.ShapeDtypeStruct((NC, NPAD, CH), jnp.float32),
    mesh=_mesh,
    scratch_types=[
        pltpu.VMEM((K, CHUNK), jnp.int32),
        pltpu.VMEM((K, CHUNK), jnp.int32),
        pltpu.VMEM((CHUNK, CH), jnp.float32),
        pltpu.VMEM_SHARED((NPAD, CH), jnp.float32),
        pltpu.SemaphoreType.DMA,
    ],
)
def _sc_prop(z_hbm, srcw_hbm, dstw_hbm, aggp_hbm, src_v, dst_v, rows_v, acc,
             sem):
    c = lax.axis_index("c")
    s = lax.axis_index("s")
    wid = c * NS + s
    pltpu.sync_copy(srcw_hbm.at[wid], src_v)
    pltpu.sync_copy(dstw_hbm.at[wid], dst_v)

    @pl.loop(0, CHUNK)
    def _zr(i):
        @pl.loop(0, CH // 16)
        def _zc(j):
            rows_v[i, pl.ds(j * 16, 16)] = jnp.zeros((16,), jnp.float32)

    @pl.loop(0, ROWS_PER_TILE // CHUNK)
    def _za(k):
        pltpu.sync_copy(
            rows_v, acc.at[pl.ds(s * ROWS_PER_TILE + k * CHUNK, CHUNK)])

    plsc.subcore_barrier()

    @pl.loop(0, K)
    def _edge(j):
        pltpu.async_copy(z_hbm.at[src_v.at[j]], rows_v, sem).wait()
        pltpu.sync_copy(rows_v, acc.at[dst_v.at[j]], add=True)

    plsc.subcore_barrier()

    @pl.loop(0, ROWS_PER_TILE // CHUNK)
    def _out(k):
        r0 = s * ROWS_PER_TILE + k * CHUNK
        pltpu.sync_copy(acc.at[pl.ds(r0, CHUNK)],
                        aggp_hbm.at[c, pl.ds(r0, CHUNK)])


def _deg_dinv(degp_blk):
    deg = degp_blk[0, :] + degp_blk[1, :] + 1.0
    return lax.rsqrt(deg)[:, None], (1.0 / deg)[:, None]


def _tc_scale_mm(x_ref, w_ref, degp_ref, zs_ref, self_ref):
    xw = jnp.dot(x_ref[...], w_ref[...], preferred_element_type=jnp.float32)
    dinv, dinv2 = _deg_dinv(degp_ref[...])
    zs_ref[...] = xw * dinv
    self_ref[...] = xw * dinv2


def _tc_mid(aggp_ref, self1_ref, degp_ref, b1_ref, wcat_ref, zs2_ref,
            self2_ref):
    dinv, dinv2 = _deg_dinv(degp_ref[...])
    agg = aggp_ref[0] + aggp_ref[1]
    h = jnp.maximum(agg * dinv + self1_ref[...] + b1_ref[...], 0.0)
    hw = jnp.dot(h, wcat_ref[...], preferred_element_type=jnp.float32)
    zs2_ref[...] = hw * dinv
    self2_ref[...] = hw * dinv2


def _tc_final(aggp_ref, self2_ref, degp_ref, bcat_ref, out_ref):
    dinv, _ = _deg_dinv(degp_ref[...])
    agg = aggp_ref[0] + aggp_ref[1]
    out_ref[...] = agg * dinv + self2_ref[...] + bcat_ref[...]


def _row_specs(n_extra):
    return [pl.BlockSpec((BM, CH), lambda i: (i, 0)) for _ in range(n_extra)]


_spec_rows = pl.BlockSpec((BM, CH), lambda i: (i, 0))
_spec_w = pl.BlockSpec((CH, CH), lambda i: (0, 0))
_spec_degp = pl.BlockSpec((NC, BM), lambda i: (0, i))
_spec_aggp = pl.BlockSpec((NC, BM, CH), lambda i: (0, i, 0))
_spec_b = pl.BlockSpec((1, CH), lambda i: (0, 0))
_GRID = (NPAD // BM,)


def kernel(x, edge_index, W1, b1, Wmu, bmu, Wls, bls):
    f32 = jnp.float32
    xpad = jnp.pad(x.astype(f32), ((0, NPAD - N_NODES), (0, 0)))
    src = edge_index[0].astype(jnp.int32)
    dst = edge_index[1].astype(jnp.int32)
    pad_e = EPAD - N_EDGES
    fill = jnp.full((pad_e,), N_NODES, jnp.int32)
    srcw = jnp.concatenate([src, fill]).reshape(NW, K, CHUNK)
    dstw = jnp.concatenate([dst, fill]).reshape(NW, K, CHUNK)

    wcat = jnp.concatenate([Wmu, Wls], axis=1).astype(f32)
    bcat = jnp.concatenate([bmu, bls]).reshape(1, CH).astype(f32)
    b1r = b1.reshape(1, CH).astype(f32)

    degp = _sc_degree(dstw)

    zs1, self1 = pl.pallas_call(
        _tc_scale_mm,
        grid=_GRID,
        in_specs=[_spec_rows, _spec_w, _spec_degp],
        out_specs=[_spec_rows, _spec_rows],
        out_shape=[jax.ShapeDtypeStruct((NPAD, CH), f32)] * 2,
    )(xpad, W1.astype(f32), degp)

    aggp1 = _sc_prop(zs1, srcw, dstw)

    zs2, self2 = pl.pallas_call(
        _tc_mid,
        grid=_GRID,
        in_specs=[_spec_aggp, _spec_rows, _spec_degp, _spec_b, _spec_w],
        out_specs=[_spec_rows, _spec_rows],
        out_shape=[jax.ShapeDtypeStruct((NPAD, CH), f32)] * 2,
    )(aggp1, self1, degp, b1r, wcat)

    aggp2 = _sc_prop(zs2, srcw, dstw)

    out = pl.pallas_call(
        _tc_final,
        grid=_GRID,
        in_specs=[_spec_aggp, _spec_rows, _spec_degp, _spec_b],
        out_specs=_spec_rows,
        out_shape=jax.ShapeDtypeStruct((NPAD, CH), f32),
    )(aggp2, self2, degp, bcat)

    mu = out[:N_NODES, :OUT_CH]
    logstd = out[:N_NODES, OUT_CH:]
    return (mu, logstd)

# --- scband reference (transcript-rebuilt; emitter-appended) ---
"""Pipeline reference for scband-encoder-5858335392034 (READ-ONLY COPY).

The authoritative reference and input builder live on the scoring server;
editing this copy changes nothing except your own understanding.
"""

import jax, jax.numpy as jnp
import numpy as np

N_NODES = 10000
N_EDGES = 320000
IN_CH = 128
HID_CH = 128
OUT_CH = 64


def setup_inputs(seed: int = 0) -> dict:
    key = jax.random.key(seed)
    ks = jax.random.split(key, 8)
    x = jax.random.normal(ks[0], (N_NODES, IN_CH), dtype=jnp.float32)
    edge_index = jax.random.randint(ks[1], (2, N_EDGES), 0, N_NODES, dtype=jnp.int64 if jax.config.jax_enable_x64 else jnp.int32).astype(jnp.int32)
    # Glorot-style init for GCNConv weights, zeros for bias (PyG default)
    def glorot(k, shape):
        limit = jnp.sqrt(6.0 / (shape[0] + shape[1]))
        return jax.random.uniform(k, shape, dtype=jnp.float32, minval=-limit, maxval=limit)
    W1 = glorot(ks[2], (IN_CH, HID_CH))
    b1 = jnp.zeros((HID_CH,), dtype=jnp.float32)
    Wmu = glorot(ks[3], (HID_CH, OUT_CH))
    bmu = jnp.zeros((OUT_CH,), dtype=jnp.float32)
    Wls = glorot(ks[4], (HID_CH, OUT_CH))
    bls = jnp.zeros((OUT_CH,), dtype=jnp.float32)
    return {"x": x, "edge_index": edge_index, "W1": W1, "b1": b1, "Wmu": Wmu, "bmu": bmu, "Wls": Wls, "bls": bls}


def _gcn_conv(x, edge_index, W, b):
    # Faithful GCNConv: y = D^{-1/2} (A + I) D^{-1/2} (x W) + b
    N = x.shape[0]
    xw = x @ W
    src = edge_index[0]
    dst = edge_index[1]
    loop = jnp.arange(N, dtype=src.dtype)
    src = jnp.concatenate([src, loop])
    dst = jnp.concatenate([dst, loop])
    deg = jax.ops.segment_sum(jnp.ones_like(dst, dtype=xw.dtype), dst, num_segments=N)
    deg_inv_sqrt = jnp.where(deg > 0, jax.lax.rsqrt(jnp.where(deg > 0, deg, 1.0)), 0.0)
    norm = deg_inv_sqrt[src] * deg_inv_sqrt[dst]
    msg = jnp.take(xw, src, axis=0) * norm[:, None]
    out = jax.ops.segment_sum(msg, dst, num_segments=N)
    return out + b


def reference(x, edge_index, W1, b1, Wmu, bmu, Wls, bls):
    h = _gcn_conv(x, edge_index, W1, b1)
    h = jax.nn.relu(h)
    mu = _gcn_conv(h, edge_index, Wmu, bmu)
    logstd = _gcn_conv(h, edge_index, Wls, bls)
    return (mu, logstd)

if __name__ == "__main__":
    import jax
    _d = setup_inputs()
    print(jax.jit(kernel)(*tuple(_d.values())))

</pallas_src>

<mosaic_0001>
#map = affine_map<(d0, d1) -> (0, 0, 0)>
#map1 = affine_map<(d0, d1) -> (0, 0)>
module attributes {stable_mosaic.version = 14 : i64} {
  func.func @_sc_degree(%arg0: i32, %arg1: i32, %arg2: memref<32x79x128xi32, #tpu.memory_space<hbm>>, %arg3: memref<2x10240xf32, #tpu.memory_space<hbm>>, %arg4: memref<79x128xi32, #tpu.memory_space<vmem>>, %arg5: memref<128xf32, #tpu.memory_space<vmem>>, %arg6: memref<640xf32, #tpu.memory_space<vmem>>, %arg7: memref<10240xf32, #tpu.memory_space<vmem_shared>>, %arg8: memref<!tpu.dma_semaphore, #tpu.memory_space<semaphore_mem>>) attributes {dimension_semantics = [#tpu.dimension_semantics<core_parallel>, #tpu.dimension_semantics<subcore_parallel>], iteration_bounds = array<i64: 2, 16>, scalar_prefetch = 0 : i64, scratch_operands = 5 : i64, tpu.core_type = #tpu.core_type<sc_vector_subcore>, window_params = [{transform_indices = #map}, {transform_indices = #map1}]} {
    %mul3A = arith.constant 16 : i32
    %mul3A_0 = arith.muli %arg0, %mul3A : i32
    %add3A = arith.addi %mul3A_0, %arg1 : i32
    "tpu.region"() ({
      %run_scoped3A = tpu.sem_alloc : memref<!tpu.dma_semaphore, #tpu.memory_space<semaphore_mem>>
      %dma_start3A = arith.constant 0 : i32
      %dma_start3A_22 = arith.constant 0 : i32
      %dma_start3A_23 = tpu.memref_slice %arg2[%add3A, %dma_start3A, %dma_start3A_22] : memref<32x79x128xi32, #tpu.memory_space<hbm>> -> memref<1x79x128xi32, #tpu.memory_space<hbm>>
      %dma_start3A_24 = tpu.memref_squeeze %dma_start3A_23 : memref<1x79x128xi32, #tpu.memory_space<hbm>> -> memref<79x128xi32, #tpu.memory_space<hbm>>
      %dma_start3A_25 = arith.constant 0 : i32
      %dma_start3A_26 = arith.constant 0 : i32
      %dma_start3A_27 = tpu.memref_slice %arg2[%add3A, %dma_start3A_25, %dma_start3A_26] : memref<32x79x128xi32, #tpu.memory_space<hbm>> -> memref<1x79x128xi32, #tpu.memory_space<hbm>>
      %dma_start3A_28 = tpu.memref_squeeze %dma_start3A_27 : memref<1x79x128xi32, #tpu.memory_space<hbm>> -> memref<79x128xi32, #tpu.memory_space<hbm>>
      tpu.enqueue_dma source(%dma_start3A_28 : memref<79x128xi32, #tpu.memory_space<hbm>>) target(%arg4 : memref<79x128xi32, #tpu.memory_space<vmem>>) target_semaphore(%run_scoped3A : memref<!tpu.dma_semaphore, #tpu.memory_space<semaphore_mem>>)
      %dma_wait3A = arith.constant 0 : i32
      %dma_wait3A_29 = arith.constant 0 : i32
      %dma_wait3A_30 = tpu.memref_slice %arg2[%add3A, %dma_wait3A, %dma_wait3A_29] : memref<32x79x128xi32, #tpu.memory_space<hbm>> -> memref<1x79x128xi32, #tpu.memory_space<hbm>>
      %dma_wait3A_31 = tpu.memref_squeeze %dma_wait3A_30 : memref<1x79x128xi32, #tpu.memory_space<hbm>> -> memref<79x128xi32, #tpu.memory_space<hbm>>
      %dma_wait3A_32 = arith.constant 0 : i32
      %dma_wait3A_33 = arith.constant 0 : i32
      %dma_wait3A_34 = tpu.memref_slice %arg2[%add3A, %dma_wait3A_32, %dma_wait3A_33] : memref<32x79x128xi32, #tpu.memory_space<hbm>> -> memref<1x79x128xi32, #tpu.memory_space<hbm>>
      %dma_wait3A_35 = tpu.memref_squeeze %dma_wait3A_34 : memref<1x79x128xi32, #tpu.memory_space<hbm>> -> memref<79x128xi32, #tpu.memory_space<hbm>>
      tpu.wait_dma2 semaphore(%run_scoped3A : memref<!tpu.dma_semaphore, #tpu.memory_space<semaphore_mem>>) src(%dma_wait3A_35 : memref<79x128xi32, #tpu.memory_space<hbm>>) dst(%arg4 : memref<79x128xi32, #tpu.memory_space<vmem>>)
      tpu.yield
    }) : () -> ()
    %scan3A = arith.constant 0 : i32
    %scan3A_1 = arith.constant 8 : i32
    %scan3A_2 = arith.addi %scan3A, %scan3A_1 : i32
    %scan3A_3 = arith.constant 1 : i32
    scf.for %scan3A_22 = %scan3A to %scan3A_2 step %scan3A_3  : i32 {
      %mul3A_23 = arith.constant 1 : i32
      %mul3A_24 = arith.muli %scan3A_22, %mul3A_23 : i32
      %add3A_25 = arith.constant 0 : i32
      %add3A_26 = arith.addi %add3A_25, %mul3A_24 : i32
      %broadcast_in_dim3A = arith.constant 1.000000e+00 : f32
      %broadcast_in_dim3A_27 = vector.broadcast %broadcast_in_dim3A : f32 to vector<16xf32>
      %mul3A_28 = arith.constant 16 : i32
      %mul3A_29 = arith.muli %add3A_26, %mul3A_28 : i32
      %swap3A = arith.index_cast %mul3A_29 : i32 to index
      %swap3A_30 = tpu.vector_load %arg5[%swap3A] {strides = array<i32>} : memref<128xf32, #tpu.memory_space<vmem>>, vector<16xf32>,
      %swap3A_31 = vector.shape_cast %swap3A_30 : vector<16xf32> to vector<16xf32>
      %swap3A_32 = vector.shape_cast %broadcast_in_dim3A_27 : vector<16xf32> to vector<16xf32>
      tpu.vector_store %arg5[%swap3A], %swap3A_32 {strides = array<i32>} : memref<128xf32, #tpu.memory_space<vmem>>, vector<16xf32>,
    }
    %scan3A_4 = arith.constant 8 : i32
    %scan3A_5 = arith.constant 0 : i32
    %scan3A_6 = arith.constant 40 : i32
    %scan3A_7 = arith.addi %scan3A_5, %scan3A_6 : i32
    %scan3A_8 = arith.constant 1 : i32
    scf.for %scan3A_22 = %scan3A_5 to %scan3A_7 step %scan3A_8  : i32 {
      %mul3A_23 = arith.constant 1 : i32
      %mul3A_24 = arith.muli %scan3A_22, %mul3A_23 : i32
      %add3A_25 = arith.constant 0 : i32
      %add3A_26 = arith.addi %add3A_25, %mul3A_24 : i32
      %broadcast_in_dim3A = arith.constant 0.000000e+00 : f32
      %broadcast_in_dim3A_27 = vector.broadcast %broadcast_in_dim3A : f32 to vector<16xf32>
      %mul3A_28 = arith.constant 16 : i32
      %mul3A_29 = arith.muli %add3A_26, %mul3A_28 : i32
      %swap3A = arith.index_cast %mul3A_29 : i32 to index
      %swap3A_30 = tpu.vector_load %arg6[%swap3A] {strides = array<i32>} : memref<640xf32, #tpu.memory_space<vmem>>, vector<16xf32>,
      %swap3A_31 = vector.shape_cast %swap3A_30 : vector<16xf32> to vector<16xf32>
      %swap3A_32 = vector.shape_cast %broadcast_in_dim3A_27 : vector<16xf32> to vector<16xf32>
      tpu.vector_store %arg6[%swap3A], %swap3A_32 {strides = array<i32>} : memref<640xf32, #tpu.memory_space<vmem>>, vector<16xf32>,
    }
    %scan3A_9 = arith.constant 40 : i32
    %mul3A_10 = arith.constant 640 : i32
    %mul3A_11 = arith.muli %arg1, %mul3A_10 : i32
    "tpu.region"() ({
      %run_scoped3A = tpu.sem_alloc : memref<!tpu.dma_semaphore, #tpu.memory_space<semaphore_mem>>
      %dma_start3A = tpu.memref_slice %arg7[%mul3A_11] : memref<10240xf32, #tpu.memory_space<vmem_shared>> -> memref<640xf32, #tpu.memory_space<vmem_shared>>
      %dma_start3A_22 = tpu.memref_slice %arg7[%mul3A_11] : memref<10240xf32, #tpu.memory_space<vmem_shared>> -> memref<640xf32, #tpu.memory_space<vmem_shared>>
      tpu.enqueue_dma source(%arg6 : memref<640xf32, #tpu.memory_space<vmem>>) target(%dma_start3A_22 : memref<640xf32, #tpu.memory_space<vmem_shared>>) target_semaphore(%run_scoped3A : memref<!tpu.dma_semaphore, #tpu.memory_space<semaphore_mem>>)
      %dma_wait3A = tpu.memref_slice %arg7[%mul3A_11] : memref<10240xf32, #tpu.memory_space<vmem_shared>> -> memref<640xf32, #tpu.memory_space<vmem_shared>>
      %dma_wait3A_23 = tpu.memref_slice %arg7[%mul3A_11] : memref<10240xf32, #tpu.memory_space<vmem_shared>> -> memref<640xf32, #tpu.memory_space<vmem_shared>>
      tpu.wait_dma2 semaphore(%run_scoped3A : memref<!tpu.dma_semaphore, #tpu.memory_space<semaphore_mem>>) src(%arg6 : memref<640xf32, #tpu.memory_space<vmem>>) dst(%dma_wait3A_23 : memref<640xf32, #tpu.memory_space<vmem_shared>>)
      tpu.yield
    }) : () -> ()
    %barrier3A = arith.constant 0 : index
    tpu.barrier barrier_id(%barrier3A)
    %scan3A_12 = arith.constant 0 : i32
    %scan3A_13 = arith.constant 79 : i32
    %scan3A_14 = arith.addi %scan3A_12, %scan3A_13 : i32
    %scan3A_15 = arith.constant 1 : i32
    scf.for %scan3A_22 = %scan3A_12 to %scan3A_14 step %scan3A_15  : i32 {
      %mul3A_23 = arith.constant 1 : i32
      %mul3A_24 = arith.muli %scan3A_22, %mul3A_23 : i32
      %add3A_25 = arith.constant 0 : i32
      %add3A_26 = arith.addi %add3A_25, %mul3A_24 : i32
      "tpu.region"() ({
        %run_scoped3A = tpu.sem_alloc : memref<!tpu.dma_semaphore, #tpu.memory_space<semaphore_mem>>
        %dma_start3A = arith.constant 0 : i32
        %dma_start3A_27 = tpu.memref_slice %arg4[%add3A_26, %dma_start3A] : memref<79x128xi32, #tpu.memory_space<vmem>> -> memref<1x128xi32, #tpu.memory_space<vmem>>
        %dma_start3A_28 = tpu.memref_squeeze %dma_start3A_27 : memref<1x128xi32, #tpu.memory_space<vmem>> -> memref<128xi32, #tpu.memory_space<vmem>>
        %dma_start3A_29 = arith.constant 0 : i32
        %dma_start3A_30 = tpu.memref_slice %arg7[%dma_start3A_29] : memref<10240xf32, #tpu.memory_space<vmem_shared>> -> memref<10240xf32, #tpu.memory_space<vmem_shared>>
        tpu.enqueue_indirect_dma source(%arg5 : memref<128xf32, #tpu.memory_space<vmem>>) target(%dma_start3A_30 : memref<10240xf32, #tpu.memory_space<vmem_shared>>) offsets(%dma_start3A_28 : memref<128xi32, #tpu.memory_space<vmem>>) semaphore(%run_scoped3A : memref<!tpu.dma_semaphore, #tpu.memory_space<semaphore_mem>>) {add = true}
        %dma_wait3A = arith.constant 0 : i32
        %dma_wait3A_31 = tpu.memref_slice %arg4[%add3A_26, %dma_wait3A] : memref<79x128xi32, #tpu.memory_space<vmem>> -> memref<1x128xi32, #tpu.memory_space<vmem>>
        %dma_wait3A_32 = tpu.memref_squeeze %dma_wait3A_31 : memref<1x128xi32, #tpu.memory_space<vmem>> -> memref<128xi32, #tpu.memory_space<vmem>>
        %dma_wait3A_33 = arith.constant 0 : i32
        %dma_wait3A_34 = tpu.memref_slice %arg7[%dma_wait3A_33] : memref<10240xf32, #tpu.memory_space<vmem_shared>> -> memref<10240xf32, #tpu.memory_space<vmem_shared>>
        tpu.wait_indirect_dma semaphore(%run_scoped3A : memref<!tpu.dma_semaphore, #tpu.memory_space<semaphore_mem>>) src(%arg5 : memref<128xf32, #tpu.memory_space<vmem>>) dst(%dma_wait3A_34 : memref<10240xf32, #tpu.memory_space<vmem_shared>>)
        tpu.yield
      }) : () -> ()
    }
    %scan3A_16 = arith.constant 79 : i32
    %barrier3A_17 = arith.constant 0 : index
    tpu.barrier barrier_id(%barrier3A_17)
    %mul3A_18 = arith.constant 640 : i32
    %mul3A_19 = arith.muli %arg1, %mul3A_18 : i32
    %mul3A_20 = arith.constant 640 : i32
    %mul3A_21 = arith.muli %arg1, %mul3A_20 : i32
    "tpu.region"() ({
      %run_scoped3A = tpu.sem_alloc : memref<!tpu.dma_semaphore, #tpu.memory_space<semaphore_mem>>
      %dma_start3A = tpu.memref_slice %arg3[%arg0, %mul3A_21] : memref<2x10240xf32, #tpu.memory_space<hbm>> -> memref<1x640xf32, #tpu.memory_space<hbm>>
      %dma_start3A_22 = tpu.memref_squeeze %dma_start3A : memref<1x640xf32, #tpu.memory_space<hbm>> -> memref<640xf32, #tpu.memory_space<hbm>>
      %dma_start3A_23 = tpu.memref_slice %arg7[%mul3A_19] : memref<10240xf32, #tpu.memory_space<vmem_shared>> -> memref<640xf32, #tpu.memory_space<vmem_shared>>
      tpu.enqueue_dma source(%dma_start3A_23 : memref<640xf32, #tpu.memory_space<vmem_shared>>) target(%dma_start3A_22 : memref<640xf32, #tpu.memory_space<hbm>>) target_semaphore(%run_scoped3A : memref<!tpu.dma_semaphore, #tpu.memory_space<semaphore_mem>>)
      %dma_wait3A = tpu.memref_slice %arg3[%arg0, %mul3A_21] : memref<2x10240xf32, #tpu.memory_space<hbm>> -> memref<1x640xf32, #tpu.memory_space<hbm>>
      %dma_wait3A_24 = tpu.memref_squeeze %dma_wait3A : memref<1x640xf32, #tpu.memory_space<hbm>> -> memref<640xf32, #tpu.memory_space<hbm>>
      %dma_wait3A_25 = tpu.memref_slice %arg7[%mul3A_19] : memref<10240xf32, #tpu.memory_space<vmem_shared>> -> memref<640xf32, #tpu.memory_space<vmem_shared>>
      tpu.wait_dma2 semaphore(%run_scoped3A : memref<!tpu.dma_semaphore, #tpu.memory_space<semaphore_mem>>) src(%dma_wait3A_25 : memref<640xf32, #tpu.memory_space<vmem_shared>>) dst(%dma_wait3A_24 : memref<640xf32, #tpu.memory_space<hbm>>)
      tpu.yield
    }) : () -> ()
    return
  }
}

#map = affine_map<(d0, d1) -> (0, 0)>
#map1 = affine_map<(d0, d1) -> (0, 0, 0)>
module attributes {stable_mosaic.version = 14 : i64} {
  func.func @_sc_prop(%arg0: i32, %arg1: i32, %arg2: memref<10240x128xf32, #tpu.memory_space<hbm>>, %arg3: memref<32x79x128xi32, #tpu.memory_space<hbm>>, %arg4: memref<32x79x128xi32, #tpu.memory_space<hbm>>, %arg5: memref<2x10240x128xf32, #tpu.memory_space<hbm>>, %arg6: memref<79x128xi32, #tpu.memory_space<vmem>>, %arg7: memref<79x128xi32, #tpu.memory_space<vmem>>, %arg8: memref<128x128xf32, #tpu.memory_space<vmem>>, %arg9: memref<10240x128xf32, #tpu.memory_space<vmem_shared>>, %arg10: memref<!tpu.dma_semaphore, #tpu.memory_space<semaphore_mem>>) attributes {dimension_semantics = [#tpu.dimension_semantics<core_parallel>, #tpu.dimension_semantics<subcore_parallel>], iteration_bounds = array<i64: 2, 16>, scalar_prefetch = 0 : i64, scratch_operands = 5 : i64, tpu.core_type = #tpu.core_type<sc_vector_subcore>, window_params = [{transform_indices = #map}, {transform_indices = #map1}, {transform_indices = #map1}, {transform_indices = #map1}]} {
    %mul3A = arith.constant 16 : i32
    %mul3A_0 = arith.muli %arg0, %mul3A : i32
    %add3A = arith.addi %mul3A_0, %arg1 : i32
    "tpu.region"() ({
      %run_scoped3A = tpu.sem_alloc : memref<!tpu.dma_semaphore, #tpu.memory_space<semaphore_mem>>
      %dma_start3A = arith.constant 0 : i32
      %dma_start3A_21 = arith.constant 0 : i32
      %dma_start3A_22 = tpu.memref_slice %arg3[%add3A, %dma_start3A, %dma_start3A_21] : memref<32x79x128xi32, #tpu.memory_space<hbm>> -> memref<1x79x128xi32, #tpu.memory_space<hbm>>
      %dma_start3A_23 = tpu.memref_squeeze %dma_start3A_22 : memref<1x79x128xi32, #tpu.memory_space<hbm>> -> memref<79x128xi32, #tpu.memory_space<hbm>>
      %dma_start3A_24 = arith.constant 0 : i32
      %dma_start3A_25 = arith.constant 0 : i32
      %dma_start3A_26 = tpu.memref_slice %arg3[%add3A, %dma_start3A_24, %dma_start3A_25] : memref<32x79x128xi32, #tpu.memory_space<hbm>> -> memref<1x79x128xi32, #tpu.memory_space<hbm>>
      %dma_start3A_27 = tpu.memref_squeeze %dma_start3A_26 : memref<1x79x128xi32, #tpu.memory_space<hbm>> -> memref<79x128xi32, #tpu.memory_space<hbm>>
      tpu.enqueue_dma source(%dma_start3A_27 : memref<79x128xi32, #tpu.memory_space<hbm>>) target(%arg6 : memref<79x128xi32, #tpu.memory_space<vmem>>) target_semaphore(%run_scoped3A : memref<!tpu.dma_semaphore, #tpu.memory_space<semaphore_mem>>)
      %dma_wait3A = arith.constant 0 : i32
      %dma_wait3A_28 = arith.constant 0 : i32
      %dma_wait3A_29 = tpu.memref_slice %arg3[%add3A, %dma_wait3A, %dma_wait3A_28] : memref<32x79x128xi32, #tpu.memory_space<hbm>> -> memref<1x79x128xi32, #tpu.memory_space<hbm>>
      %dma_wait3A_30 = tpu.memref_squeeze %dma_wait3A_29 : memref<1x79x128xi32, #tpu.memory_space<hbm>> -> memref<79x128xi32, #tpu.memory_space<hbm>>
      %dma_wait3A_31 = arith.constant 0 : i32
      %dma_wait3A_32 = arith.constant 0 : i32
      %dma_wait3A_33 = tpu.memref_slice %arg3[%add3A, %dma_wait3A_31, %dma_wait3A_32] : memref<32x79x128xi32, #tpu.memory_space<hbm>> -> memref<1x79x128xi32, #tpu.memory_space<hbm>>
      %dma_wait3A_34 = tpu.memref_squeeze %dma_wait3A_33 : memref<1x79x128xi32, #tpu.memory_space<hbm>> -> memref<79x128xi32, #tpu.memory_space<hbm>>
      tpu.wait_dma2 semaphore(%run_scoped3A : memref<!tpu.dma_semaphore, #tpu.memory_space<semaphore_mem>>) src(%dma_wait3A_34 : memref<79x128xi32, #tpu.memory_space<hbm>>) dst(%arg6 : memref<79x128xi32, #tpu.memory_space<vmem>>)
      tpu.yield
    }) : () -> ()
    "tpu.region"() ({
      %run_scoped3A = tpu.sem_alloc : memref<!tpu.dma_semaphore, #tpu.memory_space<semaphore_mem>>
      %dma_start3A = arith.constant 0 : i32
      %dma_start3A_21 = arith.constant 0 : i32
      %dma_start3A_22 = tpu.memref_slice %arg4[%add3A, %dma_start3A, %dma_start3A_21] : memref<32x79x128xi32, #tpu.memory_space<hbm>> -> memref<1x79x128xi32, #tpu.memory_space<hbm>>
      %dma_start3A_23 = tpu.memref_squeeze %dma_start3A_22 : memref<1x79x128xi32, #tpu.memory_space<hbm>> -> memref<79x128xi32, #tpu.memory_space<hbm>>
      %dma_start3A_24 = arith.constant 0 : i32
      %dma_start3A_25 = arith.constant 0 : i32
      %dma_start3A_26 = tpu.memref_slice %arg4[%add3A, %dma_start3A_24, %dma_start3A_25] : memref<32x79x128xi32, #tpu.memory_space<hbm>> -> memref<1x79x128xi32, #tpu.memory_space<hbm>>
      %dma_start3A_27 = tpu.memref_squeeze %dma_start3A_26 : memref<1x79x128xi32, #tpu.memory_space<hbm>> -> memref<79x128xi32, #tpu.memory_space<hbm>>
      tpu.enqueue_dma source(%dma_start3A_27 : memref<79x128xi32, #tpu.memory_space<hbm>>) target(%arg7 : memref<79x128xi32, #tpu.memory_space<vmem>>) target_semaphore(%run_scoped3A : memref<!tpu.dma_semaphore, #tpu.memory_space<semaphore_mem>>)
      %dma_wait3A = arith.constant 0 : i32
      %dma_wait3A_28 = arith.constant 0 : i32
      %dma_wait3A_29 = tpu.memref_slice %arg4[%add3A, %dma_wait3A, %dma_wait3A_28] : memref<32x79x128xi32, #tpu.memory_space<hbm>> -> memref<1x79x128xi32, #tpu.memory_space<hbm>>
      %dma_wait3A_30 = tpu.memref_squeeze %dma_wait3A_29 : memref<1x79x128xi32, #tpu.memory_space<hbm>> -> memref<79x128xi32, #tpu.memory_space<hbm>>
      %dma_wait3A_31 = arith.constant 0 : i32
      %dma_wait3A_32 = arith.constant 0 : i32
      %dma_wait3A_33 = tpu.memref_slice %arg4[%add3A, %dma_wait3A_31, %dma_wait3A_32] : memref<32x79x128xi32, #tpu.memory_space<hbm>> -> memref<1x79x128xi32, #tpu.memory_space<hbm>>
      %dma_wait3A_34 = tpu.memref_squeeze %dma_wait3A_33 : memref<1x79x128xi32, #tpu.memory_space<hbm>> -> memref<79x128xi32, #tpu.memory_space<hbm>>
      tpu.wait_dma2 semaphore(%run_scoped3A : memref<!tpu.dma_semaphore, #tpu.memory_space<semaphore_mem>>) src(%dma_wait3A_34 : memref<79x128xi32, #tpu.memory_space<hbm>>) dst(%arg7 : memref<79x128xi32, #tpu.memory_space<vmem>>)
      tpu.yield
    }) : () -> ()
    %scan3A = arith.constant 0 : i32
    %scan3A_1 = arith.constant 128 : i32
    %scan3A_2 = arith.addi %scan3A, %scan3A_1 : i32
    %scan3A_3 = arith.constant 1 : i32
    scf.for %scan3A_21 = %scan3A to %scan3A_2 step %scan3A_3  : i32 {
      %mul3A_22 = arith.constant 1 : i32
      %mul3A_23 = arith.muli %scan3A_21, %mul3A_22 : i32
      %add3A_24 = arith.constant 0 : i32
      %add3A_25 = arith.addi %add3A_24, %mul3A_23 : i32
      %scan3A_26 = arith.constant 0 : i32
      %scan3A_27 = arith.constant 8 : i32
      %scan3A_28 = arith.addi %scan3A_26, %scan3A_27 : i32
      %scan3A_29 = arith.constant 1 : i32
      scf.for %scan3A_31 = %scan3A_26 to %scan3A_28 step %scan3A_29  : i32 {
        %mul3A_32 = arith.constant 1 : i32
        %mul3A_33 = arith.muli %scan3A_31, %mul3A_32 : i32
        %add3A_34 = arith.constant 0 : i32
        %add3A_35 = arith.addi %add3A_34, %mul3A_33 : i32
        %broadcast_in_dim3A = arith.constant 0.000000e+00 : f32
        %broadcast_in_dim3A_36 = vector.broadcast %broadcast_in_dim3A : f32 to vector<16xf32>
        %mul3A_37 = arith.constant 16 : i32
        %mul3A_38 = arith.muli %add3A_35, %mul3A_37 : i32
        %swap3A = arith.index_cast %add3A_25 : i32 to index
        %swap3A_39 = arith.index_cast %mul3A_38 : i32 to index
        %swap3A_40 = tpu.vector_load %arg8[%swap3A, %swap3A_39] {strides = array<i32>} : memref<128x128xf32, #tpu.memory_space<vmem>>, vector<1x16xf32>,
        %swap3A_41 = vector.shape_cast %swap3A_40 : vector<1x16xf32> to vector<16xf32>
        %swap3A_42 = vector.shape_cast %broadcast_in_dim3A_36 : vector<16xf32> to vector<1x16xf32>
        tpu.vector_store %arg8[%swap3A, %swap3A_39], %swap3A_42 {strides = array<i32>} : memref<128x128xf32, #tpu.memory_space<vmem>>, vector<1x16xf32>,
      }
      %scan3A_30 = arith.constant 8 : i32
    }
    %scan3A_4 = arith.constant 128 : i32
    %scan3A_5 = arith.constant 0 : i32
    %scan3A_6 = arith.constant 5 : i32
    %scan3A_7 = arith.addi %scan3A_5, %scan3A_6 : i32
    %scan3A_8 = arith.constant 1 : i32
    scf.for %scan3A_21 = %scan3A_5 to %scan3A_7 step %scan3A_8  : i32 {
      %mul3A_22 = arith.constant 1 : i32
      %mul3A_23 = arith.muli %scan3A_21, %mul3A_22 : i32
      %add3A_24 = arith.constant 0 : i32
      %add3A_25 = arith.addi %add3A_24, %mul3A_23 : i32
      %mul3A_26 = arith.constant 640 : i32
      %mul3A_27 = arith.muli %arg1, %mul3A_26 : i32
      %mul3A_28 = arith.constant 128 : i32
      %mul3A_29 = arith.muli %add3A_25, %mul3A_28 : i32
      %add3A_30 = arith.addi %mul3A_27, %mul3A_29 : i32
      "tpu.region"() ({
        %run_scoped3A = tpu.sem_alloc : memref<!tpu.dma_semaphore, #tpu.memory_space<semaphore_mem>>
        %dma_start3A = arith.constant 0 : i32
        %dma_start3A_31 = tpu.memref_slice %arg9[%add3A_30, %dma_start3A] : memref<10240x128xf32, #tpu.memory_space<vmem_shared>> -> memref<128x128xf32, #tpu.memory_space<vmem_shared>>
        %dma_start3A_32 = arith.constant 0 : i32
        %dma_start3A_33 = tpu.memref_slice %arg9[%add3A_30, %dma_start3A_32] : memref<10240x128xf32, #tpu.memory_space<vmem_shared>> -> memref<128x128xf32, #tpu.memory_space<vmem_shared>>
        tpu.enqueue_dma source(%arg8 : memref<128x128xf32, #tpu.memory_space<vmem>>) target(%dma_start3A_33 : memref<128x128xf32, #tpu.memory_space<vmem_shared>>) target_semaphore(%run_scoped3A : memref<!tpu.dma_semaphore, #tpu.memory_space<semaphore_mem>>)
        %dma_wait3A = arith.constant 0 : i32
        %dma_wait3A_34 = tpu.memref_slice %arg9[%add3A_30, %dma_wait3A] : memref<10240x128xf32, #tpu.memory_space<vmem_shared>> -> memref<128x128xf32, #tpu.memory_space<vmem_shared>>
        %dma_wait3A_35 = arith.constant 0 : i32
        %dma_wait3A_36 = tpu.memref_slice %arg9[%add3A_30, %dma_wait3A_35] : memref<10240x128xf32, #tpu.memory_space<vmem_shared>> -> memref<128x128xf32, #tpu.memory_space<vmem_shared>>
        tpu.wait_dma2 semaphore(%run_scoped3A : memref<!tpu.dma_semaphore, #tpu.memory_space<semaphore_mem>>) src(%arg8 : memref<128x128xf32, #tpu.memory_space<vmem>>) dst(%dma_wait3A_36 : memref<128x128xf32, #tpu.memory_space<vmem_shared>>)
        tpu.yield
      }) : () -> ()
    }
    %scan3A_9 = arith.constant 5 : i32
    %barrier3A = arith.constant 0 : index
    tpu.barrier barrier_id(%barrier3A)
    %scan3A_10 = arith.constant 0 : i32
    %scan3A_11 = arith.constant 79 : i32
    %scan3A_12 = arith.addi %scan3A_10, %scan3A_11 : i32
    %scan3A_13 = arith.constant 1 : i32
    scf.for %scan3A_21 = %scan3A_10 to %scan3A_12 step %scan3A_13  : i32 {
      %mul3A_22 = arith.constant 1 : i32
      %mul3A_23 = arith.muli %scan3A_21, %mul3A_22 : i32
      %add3A_24 = arith.constant 0 : i32
      %add3A_25 = arith.addi %add3A_24, %mul3A_23 : i32
      %dma_start3A = arith.constant 0 : i32
      %dma_start3A_26 = tpu.memref_slice %arg6[%add3A_25, %dma_start3A] : memref<79x128xi32, #tpu.memory_space<vmem>> -> memref<1x128xi32, #tpu.memory_space<vmem>>
      %dma_start3A_27 = tpu.memref_squeeze %dma_start3A_26 : memref<1x128xi32, #tpu.memory_space<vmem>> -> memref<128xi32, #tpu.memory_space<vmem>>
      %dma_start3A_28 = arith.constant 0 : i32
      %dma_start3A_29 = arith.constant 0 : i32
      %dma_start3A_30 = tpu.memref_slice %arg2[%dma_start3A_28, %dma_start3A_29] : memref<10240x128xf32, #tpu.memory_space<hbm>> -> memref<10240x128xf32, #tpu.memory_space<hbm>>
      tpu.enqueue_indirect_dma source(%dma_start3A_30 : memref<10240x128xf32, #tpu.memory_space<hbm>>) target(%arg8 : memref<128x128xf32, #tpu.memory_space<vmem>>) offsets(%dma_start3A_27 : memref<128xi32, #tpu.memory_space<vmem>>) semaphore(%arg10 : memref<!tpu.dma_semaphore, #tpu.memory_space<semaphore_mem>>)
      %dma_wait3A = arith.constant 0 : i32
      %dma_wait3A_31 = tpu.memref_slice %arg6[%add3A_25, %dma_wait3A] : memref<79x128xi32, #tpu.memory_space<vmem>> -> memref<1x128xi32, #tpu.memory_space<vmem>>
      %dma_wait3A_32 = tpu.memref_squeeze %dma_wait3A_31 : memref<1x128xi32, #tpu.memory_space<vmem>> -> memref<128xi32, #tpu.memory_space<vmem>>
      %dma_wait3A_33 = arith.constant 0 : i32
      %dma_wait3A_34 = arith.constant 0 : i32
      %dma_wait3A_35 = tpu.memref_slice %arg2[%dma_wait3A_33, %dma_wait3A_34] : memref<10240x128xf32, #tpu.memory_space<hbm>> -> memref<10240x128xf32, #tpu.memory_space<hbm>>
      tpu.wait_indirect_dma semaphore(%arg10 : memref<!tpu.dma_semaphore, #tpu.memory_space<semaphore_mem>>) src(%dma_wait3A_35 : memref<10240x128xf32, #tpu.memory_space<hbm>>) dst(%arg8 : memref<128x128xf32, #tpu.memory_space<vmem>>)
      "tpu.region"() ({
        %run_scoped3A = tpu.sem_alloc : memref<!tpu.dma_semaphore, #tpu.memory_space<semaphore_mem>>
        %dma_start3A_36 = arith.constant 0 : i32
        %dma_start3A_37 = tpu.memref_slice %arg7[%add3A_25, %dma_start3A_36] : memref<79x128xi32, #tpu.memory_space<vmem>> -> memref<1x128xi32, #tpu.memory_space<vmem>>
        %dma_start3A_38 = tpu.memref_squeeze %dma_start3A_37 : memref<1x128xi32, #tpu.memory_space<vmem>> -> memref<128xi32, #tpu.memory_space<vmem>>
        %dma_start3A_39 = arith.constant 0 : i32
        %dma_start3A_40 = arith.constant 0 : i32
        %dma_start3A_41 = tpu.memref_slice %arg9[%dma_start3A_39, %dma_start3A_40] : memref<10240x128xf32, #tpu.memory_space<vmem_shared>> -> memref<10240x128xf32, #tpu.memory_space<vmem_shared>>
        tpu.enqueue_indirect_dma source(%arg8 : memref<128x128xf32, #tpu.memory_space<vmem>>) target(%dma_start3A_41 : memref<10240x128xf32, #tpu.memory_space<vmem_shared>>) offsets(%dma_start3A_38 : memref<128xi32, #tpu.memory_space<vmem>>) semaphore(%run_scoped3A : memref<!tpu.dma_semaphore, #tpu.memory_space<semaphore_mem>>) {add = true}
        %dma_wait3A_42 = arith.constant 0 : i32
        %dma_wait3A_43 = tpu.memref_slice %arg7[%add3A_25, %dma_wait3A_42] : memref<79x128xi32, #tpu.memory_space<vmem>> -> memref<1x128xi32, #tpu.memory_space<vmem>>
        %dma_wait3A_44 = tpu.memref_squeeze %dma_wait3A_43 : memref<1x128xi32, #tpu.memory_space<vmem>> -> memref<128xi32, #tpu.memory_space<vmem>>
        %dma_wait3A_45 = arith.constant 0 : i32
        %dma_wait3A_46 = arith.constant 0 : i32
        %dma_wait3A_47 = tpu.memref_slice %arg9[%dma_wait3A_45, %dma_wait3A_46] : memref<10240x128xf32, #tpu.memory_space<vmem_shared>> -> memref<10240x128xf32, #tpu.memory_space<vmem_shared>>
        tpu.wait_indirect_dma semaphore(%run_scoped3A : memref<!tpu.dma_semaphore, #tpu.memory_space<semaphore_mem>>) src(%arg8 : memref<128x128xf32, #tpu.memory_space<vmem>>) dst(%dma_wait3A_47 : memref<10240x128xf32, #tpu.memory_space<vmem_shared>>)
        tpu.yield
      }) : () -> ()
    }
    %scan3A_14 = arith.constant 79 : i32
    %barrier3A_15 = arith.constant 0 : index
    tpu.barrier barrier_id(%barrier3A_15)
    %scan3A_16 = arith.constant 0 : i32
    %scan3A_17 = arith.constant 5 : i32
    %scan3A_18 = arith.addi %scan3A_16, %scan3A_17 : i32
    %scan3A_19 = arith.constant 1 : i32
    scf.for %scan3A_21 = %scan3A_16 to %scan3A_18 step %scan3A_19  : i32 {
      %mul3A_22 = arith.constant 1 : i32
      %mul3A_23 = arith.muli %scan3A_21, %mul3A_22 : i32
      %add3A_24 = arith.constant 0 : i32
      %add3A_25 = arith.addi %add3A_24, %mul3A_23 : i32
      %mul3A_26 = arith.constant 640 : i32
      %mul3A_27 = arith.muli %arg1, %mul3A_26 : i32
      %mul3A_28 = arith.constant 128 : i32
      %mul3A_29 = arith.muli %add3A_25, %mul3A_28 : i32
      %add3A_30 = arith.addi %mul3A_27, %mul3A_29 : i32
      "tpu.region"() ({
        %run_scoped3A = tpu.sem_alloc : memref<!tpu.dma_semaphore, #tpu.memory_space<semaphore_mem>>
        %dma_start3A = arith.constant 0 : i32
        %dma_start3A_31 = tpu.memref_slice %arg5[%arg0, %add3A_30, %dma_start3A] : memref<2x10240x128xf32, #tpu.memory_space<hbm>> -> memref<1x128x128xf32, #tpu.memory_space<hbm>>
        %dma_start3A_32 = tpu.memref_squeeze %dma_start3A_31 : memref<1x128x128xf32, #tpu.memory_space<hbm>> -> memref<128x128xf32, #tpu.memory_space<hbm>>
        %dma_start3A_33 = arith.constant 0 : i32
        %dma_start3A_34 = tpu.memref_slice %arg9[%add3A_30, %dma_start3A_33] : memref<10240x128xf32, #tpu.memory_space<vmem_shared>> -> memref<128x128xf32, #tpu.memory_space<vmem_shared>>
        tpu.enqueue_dma source(%dma_start3A_34 : memref<128x128xf32, #tpu.memory_space<vmem_shared>>) target(%dma_start3A_32 : memref<128x128xf32, #tpu.memory_space<hbm>>) target_semaphore(%run_scoped3A : memref<!tpu.dma_semaphore, #tpu.memory_space<semaphore_mem>>)
        %dma_wait3A = arith.constant 0 : i32
        %dma_wait3A_35 = tpu.memref_slice %arg5[%arg0, %add3A_30, %dma_wait3A] : memref<2x10240x128xf32, #tpu.memory_space<hbm>> -> memref<1x128x128xf32, #tpu.memory_space<hbm>>
        %dma_wait3A_36 = tpu.memref_squeeze %dma_wait3A_35 : memref<1x128x128xf32, #tpu.memory_space<hbm>> -> memref<128x128xf32, #tpu.memory_space<hbm>>
        %dma_wait3A_37 = arith.constant 0 : i32
        %dma_wait3A_38 = tpu.memref_slice %arg9[%add3A_30, %dma_wait3A_37] : memref<10240x128xf32, #tpu.memory_space<vmem_shared>> -> memref<128x128xf32, #tpu.memory_space<vmem_shared>>
        tpu.wait_dma2 semaphore(%run_scoped3A : memref<!tpu.dma_semaphore, #tpu.memory_space<semaphore_mem>>) src(%dma_wait3A_38 : memref<128x128xf32, #tpu.memory_space<vmem_shared>>) dst(%dma_wait3A_36 : memref<128x128xf32, #tpu.memory_space<hbm>>)
        tpu.yield
      }) : () -> ()
    }
    %scan3A_20 = arith.constant 5 : i32
    return
  }
}

#map = affine_map<(d0, d1) -> (0, 0)>
#map1 = affine_map<(d0, d1) -> (0, 0, 0)>
module attributes {stable_mosaic.version = 14 : i64} {
  func.func @_sc_prop(%arg0: i32, %arg1: i32, %arg2: memref<10240x128xf32, #tpu.memory_space<hbm>>, %arg3: memref<32x79x128xi32, #tpu.memory_space<hbm>>, %arg4: memref<32x79x128xi32, #tpu.memory_space<hbm>>, %arg5: memref<2x10240x128xf32, #tpu.memory_space<hbm>>, %arg6: memref<79x128xi32, #tpu.memory_space<vmem>>, %arg7: memref<79x128xi32, #tpu.memory_space<vmem>>, %arg8: memref<128x128xf32, #tpu.memory_space<vmem>>, %arg9: memref<10240x128xf32, #tpu.memory_space<vmem_shared>>, %arg10: memref<!tpu.dma_semaphore, #tpu.memory_space<semaphore_mem>>) attributes {dimension_semantics = [#tpu.dimension_semantics<core_parallel>, #tpu.dimension_semantics<subcore_parallel>], iteration_bounds = array<i64: 2, 16>, scalar_prefetch = 0 : i64, scratch_operands = 5 : i64, tpu.core_type = #tpu.core_type<sc_vector_subcore>, window_params = [{transform_indices = #map}, {transform_indices = #map1}, {transform_indices = #map1}, {transform_indices = #map1}]} {
    %mul3A = arith.constant 16 : i32
    %mul3A_0 = arith.muli %arg0, %mul3A : i32
    %add3A = arith.addi %mul3A_0, %arg1 : i32
    "tpu.region"() ({
      %run_scoped3A = tpu.sem_alloc : memref<!tpu.dma_semaphore, #tpu.memory_space<semaphore_mem>>
      %dma_start3A = arith.constant 0 : i32
      %dma_start3A_21 = arith.constant 0 : i32
      %dma_start3A_22 = tpu.memref_slice %arg3[%add3A, %dma_start3A, %dma_start3A_21] : memref<32x79x128xi32, #tpu.memory_space<hbm>> -> memref<1x79x128xi32, #tpu.memory_space<hbm>>
      %dma_start3A_23 = tpu.memref_squeeze %dma_start3A_22 : memref<1x79x128xi32, #tpu.memory_space<hbm>> -> memref<79x128xi32, #tpu.memory_space<hbm>>
      %dma_start3A_24 = arith.constant 0 : i32
      %dma_start3A_25 = arith.constant 0 : i32
      %dma_start3A_26 = tpu.memref_slice %arg3[%add3A, %dma_start3A_24, %dma_start3A_25] : memref<32x79x128xi32, #tpu.memory_space<hbm>> -> memref<1x79x128xi32, #tpu.memory_space<hbm>>
      %dma_start3A_27 = tpu.memref_squeeze %dma_start3A_26 : memref<1x79x128xi32, #tpu.memory_space<hbm>> -> memref<79x128xi32, #tpu.memory_space<hbm>>
      tpu.enqueue_dma source(%dma_start3A_27 : memref<79x128xi32, #tpu.memory_space<hbm>>) target(%arg6 : memref<79x128xi32, #tpu.memory_space<vmem>>) target_semaphore(%run_scoped3A : memref<!tpu.dma_semaphore, #tpu.memory_space<semaphore_mem>>)
      %dma_wait3A = arith.constant 0 : i32
      %dma_wait3A_28 = arith.constant 0 : i32
      %dma_wait3A_29 = tpu.memref_slice %arg3[%add3A, %dma_wait3A, %dma_wait3A_28] : memref<32x79x128xi32, #tpu.memory_space<hbm>> -> memref<1x79x128xi32, #tpu.memory_space<hbm>>
      %dma_wait3A_30 = tpu.memref_squeeze %dma_wait3A_29 : memref<1x79x128xi32, #tpu.memory_space<hbm>> -> memref<79x128xi32, #tpu.memory_space<hbm>>
      %dma_wait3A_31 = arith.constant 0 : i32
      %dma_wait3A_32 = arith.constant 0 : i32
      %dma_wait3A_33 = tpu.memref_slice %arg3[%add3A, %dma_wait3A_31, %dma_wait3A_32] : memref<32x79x128xi32, #tpu.memory_space<hbm>> -> memref<1x79x128xi32, #tpu.memory_space<hbm>>
      %dma_wait3A_34 = tpu.memref_squeeze %dma_wait3A_33 : memref<1x79x128xi32, #tpu.memory_space<hbm>> -> memref<79x128xi32, #tpu.memory_space<hbm>>
      tpu.wait_dma2 semaphore(%run_scoped3A : memref<!tpu.dma_semaphore, #tpu.memory_space<semaphore_mem>>) src(%dma_wait3A_34 : memref<79x128xi32, #tpu.memory_space<hbm>>) dst(%arg6 : memref<79x128xi32, #tpu.memory_space<vmem>>)
      tpu.yield
    }) : () -> ()
    "tpu.region"() ({
      %run_scoped3A = tpu.sem_alloc : memref<!tpu.dma_semaphore, #tpu.memory_space<semaphore_mem>>
      %dma_start3A = arith.constant 0 : i32
      %dma_start3A_21 = arith.constant 0 : i32
      %dma_start3A_22 = tpu.memref_slice %arg4[%add3A, %dma_start3A, %dma_start3A_21] : memref<32x79x128xi32, #tpu.memory_space<hbm>> -> memref<1x79x128xi32, #tpu.memory_space<hbm>>
      %dma_start3A_23 = tpu.memref_squeeze %dma_start3A_22 : memref<1x79x128xi32, #tpu.memory_space<hbm>> -> memref<79x128xi32, #tpu.memory_space<hbm>>
      %dma_start3A_24 = arith.constant 0 : i32
      %dma_start3A_25 = arith.constant 0 : i32
      %dma_start3A_26 = tpu.memref_slice %arg4[%add3A, %dma_start3A_24, %dma_start3A_25] : memref<32x79x128xi32, #tpu.memory_space<hbm>> -> memref<1x79x128xi32, #tpu.memory_space<hbm>>
      %dma_start3A_27 = tpu.memref_squeeze %dma_start3A_26 : memref<1x79x128xi32, #tpu.memory_space<hbm>> -> memref<79x128xi32, #tpu.memory_space<hbm>>
      tpu.enqueue_dma source(%dma_start3A_27 : memref<79x128xi32, #tpu.memory_space<hbm>>) target(%arg7 : memref<79x128xi32, #tpu.memory_space<vmem>>) target_semaphore(%run_scoped3A : memref<!tpu.dma_semaphore, #tpu.memory_space<semaphore_mem>>)
      %dma_wait3A = arith.constant 0 : i32
      %dma_wait3A_28 = arith.constant 0 : i32
      %dma_wait3A_29 = tpu.memref_slice %arg4[%add3A, %dma_wait3A, %dma_wait3A_28] : memref<32x79x128xi32, #tpu.memory_space<hbm>> -> memref<1x79x128xi32, #tpu.memory_space<hbm>>
      %dma_wait3A_30 = tpu.memref_squeeze %dma_wait3A_29 : memref<1x79x128xi32, #tpu.memory_space<hbm>> -> memref<79x128xi32, #tpu.memory_space<hbm>>
      %dma_wait3A_31 = arith.constant 0 : i32
      %dma_wait3A_32 = arith.constant 0 : i32
      %dma_wait3A_33 = tpu.memref_slice %arg4[%add3A, %dma_wait3A_31, %dma_wait3A_32] : memref<32x79x128xi32, #tpu.memory_space<hbm>> -> memref<1x79x128xi32, #tpu.memory_space<hbm>>
      %dma_wait3A_34 = tpu.memref_squeeze %dma_wait3A_33 : memref<1x79x128xi32, #tpu.memory_space<hbm>> -> memref<79x128xi32, #tpu.memory_space<hbm>>
      tpu.wait_dma2 semaphore(%run_scoped3A : memref<!tpu.dma_semaphore, #tpu.memory_space<semaphore_mem>>) src(%dma_wait3A_34 : memref<79x128xi32, #tpu.memory_space<hbm>>) dst(%arg7 : memref<79x128xi32, #tpu.memory_space<vmem>>)
      tpu.yield
    }) : () -> ()
    %scan3A = arith.constant 0 : i32
    %scan3A_1 = arith.constant 128 : i32
    %scan3A_2 = arith.addi %scan3A, %scan3A_1 : i32
    %scan3A_3 = arith.constant 1 : i32
    scf.for %scan3A_21 = %scan3A to %scan3A_2 step %scan3A_3  : i32 {
      %mul3A_22 = arith.constant 1 : i32
      %mul3A_23 = arith.muli %scan3A_21, %mul3A_22 : i32
      %add3A_24 = arith.constant 0 : i32
      %add3A_25 = arith.addi %add3A_24, %mul3A_23 : i32
      %scan3A_26 = arith.constant 0 : i32
      %scan3A_27 = arith.constant 8 : i32
      %scan3A_28 = arith.addi %scan3A_26, %scan3A_27 : i32
      %scan3A_29 = arith.constant 1 : i32
      scf.for %scan3A_31 = %scan3A_26 to %scan3A_28 step %scan3A_29  : i32 {
        %mul3A_32 = arith.constant 1 : i32
        %mul3A_33 = arith.muli %scan3A_31, %mul3A_32 : i32
        %add3A_34 = arith.constant 0 : i32
        %add3A_35 = arith.addi %add3A_34, %mul3A_33 : i32
        %broadcast_in_dim3A = arith.constant 0.000000e+00 : f32
        %broadcast_in_dim3A_36 = vector.broadcast %broadcast_in_dim3A : f32 to vector<16xf32>
        %mul3A_37 = arith.constant 16 : i32
        %mul3A_38 = arith.muli %add3A_35, %mul3A_37 : i32
        %swap3A = arith.index_cast %add3A_25 : i32 to index
        %swap3A_39 = arith.index_cast %mul3A_38 : i32 to index
        %swap3A_40 = tpu.vector_load %arg8[%swap3A, %swap3A_39] {strides = array<i32>} : memref<128x128xf32, #tpu.memory_space<vmem>>, vector<1x16xf32>,
        %swap3A_41 = vector.shape_cast %swap3A_40 : vector<1x16xf32> to vector<16xf32>
        %swap3A_42 = vector.shape_cast %broadcast_in_dim3A_36 : vector<16xf32> to vector<1x16xf32>
        tpu.vector_store %arg8[%swap3A, %swap3A_39], %swap3A_42 {strides = array<i32>} : memref<128x128xf32, #tpu.memory_space<vmem>>, vector<1x16xf32>,
      }
      %scan3A_30 = arith.constant 8 : i32
    }
    %scan3A_4 = arith.constant 128 : i32
    %scan3A_5 = arith.constant 0 : i32
    %scan3A_6 = arith.constant 5 : i32
    %scan3A_7 = arith.addi %scan3A_5, %scan3A_6 : i32
    %scan3A_8 = arith.constant 1 : i32
    scf.for %scan3A_21 = %scan3A_5 to %scan3A_7 step %scan3A_8  : i32 {
      %mul3A_22 = arith.constant 1 : i32
      %mul3A_23 = arith.muli %scan3A_21, %mul3A_22 : i32
      %add3A_24 = arith.constant 0 : i32
      %add3A_25 = arith.addi %add3A_24, %mul3A_23 : i32
      %mul3A_26 = arith.constant 640 : i32
      %mul3A_27 = arith.muli %arg1, %mul3A_26 : i32
      %mul3A_28 = arith.constant 128 : i32
      %mul3A_29 = arith.muli %add3A_25, %mul3A_28 : i32
      %add3A_30 = arith.addi %mul3A_27, %mul3A_29 : i32
      "tpu.region"() ({
        %run_scoped3A = tpu.sem_alloc : memref<!tpu.dma_semaphore, #tpu.memory_space<semaphore_mem>>
        %dma_start3A = arith.constant 0 : i32
        %dma_start3A_31 = tpu.memref_slice %arg9[%add3A_30, %dma_start3A] : memref<10240x128xf32, #tpu.memory_space<vmem_shared>> -> memref<128x128xf32, #tpu.memory_space<vmem_shared>>
        %dma_start3A_32 = arith.constant 0 : i32
        %dma_start3A_33 = tpu.memref_slice %arg9[%add3A_30, %dma_start3A_32] : memref<10240x128xf32, #tpu.memory_space<vmem_shared>> -> memref<128x128xf32, #tpu.memory_space<vmem_shared>>
        tpu.enqueue_dma source(%arg8 : memref<128x128xf32, #tpu.memory_space<vmem>>) target(%dma_start3A_33 : memref<128x128xf32, #tpu.memory_space<vmem_shared>>) target_semaphore(%run_scoped3A : memref<!tpu.dma_semaphore, #tpu.memory_space<semaphore_mem>>)
        %dma_wait3A = arith.constant 0 : i32
        %dma_wait3A_34 = tpu.memref_slice %arg9[%add3A_30, %dma_wait3A] : memref<10240x128xf32, #tpu.memory_space<vmem_shared>> -> memref<128x128xf32, #tpu.memory_space<vmem_shared>>
        %dma_wait3A_35 = arith.constant 0 : i32
        %dma_wait3A_36 = tpu.memref_slice %arg9[%add3A_30, %dma_wait3A_35] : memref<10240x128xf32, #tpu.memory_space<vmem_shared>> -> memref<128x128xf32, #tpu.memory_space<vmem_shared>>
        tpu.wait_dma2 semaphore(%run_scoped3A : memref<!tpu.dma_semaphore, #tpu.memory_space<semaphore_mem>>) src(%arg8 : memref<128x128xf32, #tpu.memory_space<vmem>>) dst(%dma_wait3A_36 : memref<128x128xf32, #tpu.memory_space<vmem_shared>>)
        tpu.yield
      }) : () -> ()
    }
    %scan3A_9 = arith.constant 5 : i32
    %barrier3A = arith.constant 0 : index
    tpu.barrier barrier_id(%barrier3A)
    %scan3A_10 = arith.constant 0 : i32
    %scan3A_11 = arith.constant 79 : i32
    %scan3A_12 = arith.addi %scan3A_10, %scan3A_11 : i32
    %scan3A_13 = arith.constant 1 : i32
    scf.for %scan3A_21 = %scan3A_10 to %scan3A_12 step %scan3A_13  : i32 {
      %mul3A_22 = arith.constant 1 : i32
      %mul3A_23 = arith.muli %scan3A_21, %mul3A_22 : i32
      %add3A_24 = arith.constant 0 : i32
      %add3A_25 = arith.addi %add3A_24, %mul3A_23 : i32
      %dma_start3A = arith.constant 0 : i32
      %dma_start3A_26 = tpu.memref_slice %arg6[%add3A_25, %dma_start3A] : memref<79x128xi32, #tpu.memory_space<vmem>> -> memref<1x128xi32, #tpu.memory_space<vmem>>
      %dma_start3A_27 = tpu.memref_squeeze %dma_start3A_26 : memref<1x128xi32, #tpu.memory_space<vmem>> -> memref<128xi32, #tpu.memory_space<vmem>>
      %dma_start3A_28 = arith.constant 0 : i32
      %dma_start3A_29 = arith.constant 0 : i32
      %dma_start3A_30 = tpu.memref_slice %arg2[%dma_start3A_28, %dma_start3A_29] : memref<10240x128xf32, #tpu.memory_space<hbm>> -> memref<10240x128xf32, #tpu.memory_space<hbm>>
      tpu.enqueue_indirect_dma source(%dma_start3A_30 : memref<10240x128xf32, #tpu.memory_space<hbm>>) target(%arg8 : memref<128x128xf32, #tpu.memory_space<vmem>>) offsets(%dma_start3A_27 : memref<128xi32, #tpu.memory_space<vmem>>) semaphore(%arg10 : memref<!tpu.dma_semaphore, #tpu.memory_space<semaphore_mem>>)
      %dma_wait3A = arith.constant 0 : i32
      %dma_wait3A_31 = tpu.memref_slice %arg6[%add3A_25, %dma_wait3A] : memref<79x128xi32, #tpu.memory_space<vmem>> -> memref<1x128xi32, #tpu.memory_space<vmem>>
      %dma_wait3A_32 = tpu.memref_squeeze %dma_wait3A_31 : memref<1x128xi32, #tpu.memory_space<vmem>> -> memref<128xi32, #tpu.memory_space<vmem>>
      %dma_wait3A_33 = arith.constant 0 : i32
      %dma_wait3A_34 = arith.constant 0 : i32
      %dma_wait3A_35 = tpu.memref_slice %arg2[%dma_wait3A_33, %dma_wait3A_34] : memref<10240x128xf32, #tpu.memory_space<hbm>> -> memref<10240x128xf32, #tpu.memory_space<hbm>>
      tpu.wait_indirect_dma semaphore(%arg10 : memref<!tpu.dma_semaphore, #tpu.memory_space<semaphore_mem>>) src(%dma_wait3A_35 : memref<10240x128xf32, #tpu.memory_space<hbm>>) dst(%arg8 : memref<128x128xf32, #tpu.memory_space<vmem>>)
      "tpu.region"() ({
        %run_scoped3A = tpu.sem_alloc : memref<!tpu.dma_semaphore, #tpu.memory_space<semaphore_mem>>
        %dma_start3A_36 = arith.constant 0 : i32
        %dma_start3A_37 = tpu.memref_slice %arg7[%add3A_25, %dma_start3A_36] : memref<79x128xi32, #tpu.memory_space<vmem>> -> memref<1x128xi32, #tpu.memory_space<vmem>>
        %dma_start3A_38 = tpu.memref_squeeze %dma_start3A_37 : memref<1x128xi32, #tpu.memory_space<vmem>> -> memref<128xi32, #tpu.memory_space<vmem>>
        %dma_start3A_39 = arith.constant 0 : i32
        %dma_start3A_40 = arith.constant 0 : i32
        %dma_start3A_41 = tpu.memref_slice %arg9[%dma_start3A_39, %dma_start3A_40] : memref<10240x128xf32, #tpu.memory_space<vmem_shared>> -> memref<10240x128xf32, #tpu.memory_space<vmem_shared>>
        tpu.enqueue_indirect_dma source(%arg8 : memref<128x128xf32, #tpu.memory_space<vmem>>) target(%dma_start3A_41 : memref<10240x128xf32, #tpu.memory_space<vmem_shared>>) offsets(%dma_start3A_38 : memref<128xi32, #tpu.memory_space<vmem>>) semaphore(%run_scoped3A : memref<!tpu.dma_semaphore, #tpu.memory_space<semaphore_mem>>) {add = true}
        %dma_wait3A_42 = arith.constant 0 : i32
        %dma_wait3A_43 = tpu.memref_slice %arg7[%add3A_25, %dma_wait3A_42] : memref<79x128xi32, #tpu.memory_space<vmem>> -> memref<1x128xi32, #tpu.memory_space<vmem>>
        %dma_wait3A_44 = tpu.memref_squeeze %dma_wait3A_43 : memref<1x128xi32, #tpu.memory_space<vmem>> -> memref<128xi32, #tpu.memory_space<vmem>>
        %dma_wait3A_45 = arith.constant 0 : i32
        %dma_wait3A_46 = arith.constant 0 : i32
        %dma_wait3A_47 = tpu.memref_slice %arg9[%dma_wait3A_45, %dma_wait3A_46] : memref<10240x128xf32, #tpu.memory_space<vmem_shared>> -> memref<10240x128xf32, #tpu.memory_space<vmem_shared>>
        tpu.wait_indirect_dma semaphore(%run_scoped3A : memref<!tpu.dma_semaphore, #tpu.memory_space<semaphore_mem>>) src(%arg8 : memref<128x128xf32, #tpu.memory_space<vmem>>) dst(%dma_wait3A_47 : memref<10240x128xf32, #tpu.memory_space<vmem_shared>>)
        tpu.yield
      }) : () -> ()
    }
    %scan3A_14 = arith.constant 79 : i32
    %barrier3A_15 = arith.constant 0 : index
    tpu.barrier barrier_id(%barrier3A_15)
    %scan3A_16 = arith.constant 0 : i32
    %scan3A_17 = arith.constant 5 : i32
    %scan3A_18 = arith.addi %scan3A_16, %scan3A_17 : i32
    %scan3A_19 = arith.constant 1 : i32
    scf.for %scan3A_21 = %scan3A_16 to %scan3A_18 step %scan3A_19  : i32 {
      %mul3A_22 = arith.constant 1 : i32
      %mul3A_23 = arith.muli %scan3A_21, %mul3A_22 : i32
      %add3A_24 = arith.constant 0 : i32
      %add3A_25 = arith.addi %add3A_24, %mul3A_23 : i32
      %mul3A_26 = arith.constant 640 : i32
      %mul3A_27 = arith.muli %arg1, %mul3A_26 : i32
      %mul3A_28 = arith.constant 128 : i32
      %mul3A_29 = arith.muli %add3A_25, %mul3A_28 : i32
      %add3A_30 = arith.addi %mul3A_27, %mul3A_29 : i32
      "tpu.region"() ({
        %run_scoped3A = tpu.sem_alloc : memref<!tpu.dma_semaphore, #tpu.memory_space<semaphore_mem>>
        %dma_start3A = arith.constant 0 : i32
        %dma_start3A_31 = tpu.memref_slice %arg5[%arg0, %add3A_30, %dma_start3A] : memref<2x10240x128xf32, #tpu.memory_space<hbm>> -> memref<1x128x128xf32, #tpu.memory_space<hbm>>
        %dma_start3A_32 = tpu.memref_squeeze %dma_start3A_31 : memref<1x128x128xf32, #tpu.memory_space<hbm>> -> memref<128x128xf32, #tpu.memory_space<hbm>>
        %dma_start3A_33 = arith.constant 0 : i32
        %dma_start3A_34 = tpu.memref_slice %arg9[%add3A_30, %dma_start3A_33] : memref<10240x128xf32, #tpu.memory_space<vmem_shared>> -> memref<128x128xf32, #tpu.memory_space<vmem_shared>>
        tpu.enqueue_dma source(%dma_start3A_34 : memref<128x128xf32, #tpu.memory_space<vmem_shared>>) target(%dma_start3A_32 : memref<128x128xf32, #tpu.memory_space<hbm>>) target_semaphore(%run_scoped3A : memref<!tpu.dma_semaphore, #tpu.memory_space<semaphore_mem>>)
        %dma_wait3A = arith.constant 0 : i32
        %dma_wait3A_35 = tpu.memref_slice %arg5[%arg0, %add3A_30, %dma_wait3A] : memref<2x10240x128xf32, #tpu.memory_space<hbm>> -> memref<1x128x128xf32, #tpu.memory_space<hbm>>
        %dma_wait3A_36 = tpu.memref_squeeze %dma_wait3A_35 : memref<1x128x128xf32, #tpu.memory_space<hbm>> -> memref<128x128xf32, #tpu.memory_space<hbm>>
        %dma_wait3A_37 = arith.constant 0 : i32
        %dma_wait3A_38 = tpu.memref_slice %arg9[%add3A_30, %dma_wait3A_37] : memref<10240x128xf32, #tpu.memory_space<vmem_shared>> -> memref<128x128xf32, #tpu.memory_space<vmem_shared>>
        tpu.wait_dma2 semaphore(%run_scoped3A : memref<!tpu.dma_semaphore, #tpu.memory_space<semaphore_mem>>) src(%dma_wait3A_38 : memref<128x128xf32, #tpu.memory_space<vmem_shared>>) dst(%dma_wait3A_36 : memref<128x128xf32, #tpu.memory_space<hbm>>)
        tpu.yield
      }) : () -> ()
    }
    %scan3A_20 = arith.constant 5 : i32
    return
  }
}

module attributes {stable_mosaic.version = 14 : i64} {
  func.func @_tc_scale_mm(%arg0: i32, %arg1: memref<512x128xf32, #tpu.memory_space<vmem>>, %arg2: memref<128x128xf32, #tpu.memory_space<vmem>>, %arg3: memref<2x512xf32, #tpu.memory_space<vmem>>, %arg4: memref<512x128xf32, #tpu.memory_space<vmem>>, %arg5: memref<512x128xf32, #tpu.memory_space<vmem>>) attributes {dimension_semantics = [#tpu.dimension_semantics<arbitrary>], iteration_bounds = array<i64: 20>, scalar_prefetch = 0 : i64, scratch_operands = 0 : i64, tpu.core_type = #tpu.core_type<tc>, window_params = [{transform_indices = @transform_0, window_bounds = array<i64: 512, 128>}, {pipeline_mode = #tpu.pipeline_mode<synchronous>, transform_indices = @transform_1, window_bounds = array<i64: 128, 128>}, {transform_indices = @transform_2, window_bounds = array<i64: 2, 512>}, {transform_indices = @transform_3, window_bounds = array<i64: 512, 128>}, {transform_indices = @transform_4, window_bounds = array<i64: 512, 128>}]} {
    %get3A = arith.constant 0 : index
    %get3A_0 = arith.constant 0 : index
    %get3A_1 = vector.load %arg1[%get3A, %get3A_0] : memref<512x128xf32, #tpu.memory_space<vmem>>, vector<512x128xf32>
    %get3A_2 = arith.constant 0 : index
    %get3A_3 = arith.constant 0 : index
    %get3A_4 = vector.load %arg2[%get3A_2, %get3A_3] : memref<128x128xf32, #tpu.memory_space<vmem>>, vector<128x128xf32>
    %dot_general3A = arith.constant dense<0.000000e+00> : vector<512x128xf32>
    %dot_general3A_5 = tpu.matmul %get3A_1, %get3A_4, %dot_general3A {dimension_numbers = #tpu.dot_dimension_numbers<[1], [0], [0], [1], [0, 0, 1, 1], [], []>, transpose_lhs_hint = false} : vector<512x128xf32>, vector<128x128xf32>, vector<512x128xf32> -> vector<512x128xf32>
    %get3A_6 = arith.constant 0 : index
    %get3A_7 = arith.constant 0 : index
    %get3A_8 = vector.load %arg3[%get3A_6, %get3A_7] : memref<2x512xf32, #tpu.memory_space<vmem>>, vector<2x512xf32>
    %slice3A = vector.extract_strided_slice %get3A_8 {offsets = [0, 0], sizes = [1, 512], strides = [1, 1]} : vector<2x512xf32> to vector<1x512xf32>
    %squeeze3A = vector.shape_cast %slice3A : vector<1x512xf32> to vector<512xf32>
    %slice3A_9 = vector.extract_strided_slice %get3A_8 {offsets = [1, 0], sizes = [1, 512], strides = [1, 1]} : vector<2x512xf32> to vector<1x512xf32>
    %squeeze3A_10 = vector.shape_cast %slice3A_9 : vector<1x512xf32> to vector<512xf32>
    %add3A = arith.addf %squeeze3A, %squeeze3A_10 : vector<512xf32>
    %add3A_11 = arith.constant 1.000000e+00 : f32
    %add3A_12 = vector.broadcast %add3A_11 : f32 to vector<512xf32>
    %add3A_13 = arith.addf %add3A, %add3A_12 : vector<512xf32>
    %rsqrt3A = math.rsqrt %add3A_13 : vector<512xf32>
    %broadcast_in_dim3A = vector.shape_cast %rsqrt3A : vector<512xf32> to vector<512x1xf32>
    %div3A = arith.constant 1.000000e+00 : f32
    %div3A_14 = vector.broadcast %div3A : f32 to vector<512xf32>
    %div3A_15 = arith.divf %div3A_14, %add3A_13 : vector<512xf32>
    %broadcast_in_dim3A_16 = vector.shape_cast %div3A_15 : vector<512xf32> to vector<512x1xf32>
    %mul3A = vector.broadcast %broadcast_in_dim3A : vector<512x1xf32> to vector<512x128xf32>
    %mul3A_17 = arith.mulf %dot_general3A_5, %mul3A : vector<512x128xf32>
    %swap3A = arith.constant 0 : index
    %swap3A_18 = arith.constant 0 : index
    %swap3A_19 = vector.load %arg4[%swap3A, %swap3A_18] : memref<512x128xf32, #tpu.memory_space<vmem>>, vector<512x128xf32>
    tpu.vector_store %arg4[%swap3A, %swap3A_18], %mul3A_17 {strides = array<i32>} : memref<512x128xf32, #tpu.memory_space<vmem>>, vector<512x128xf32>,
    %mul3A_20 = vector.broadcast %broadcast_in_dim3A_16 : vector<512x1xf32> to vector<512x128xf32>
    %mul3A_21 = arith.mulf %dot_general3A_5, %mul3A_20 : vector<512x128xf32>
    %swap3A_22 = arith.constant 0 : index
    %swap3A_23 = arith.constant 0 : index
    %swap3A_24 = vector.load %arg5[%swap3A_22, %swap3A_23] : memref<512x128xf32, #tpu.memory_space<vmem>>, vector<512x128xf32>
    tpu.vector_store %arg5[%swap3A_22, %swap3A_23], %mul3A_21 {strides = array<i32>} : memref<512x128xf32, #tpu.memory_space<vmem>>, vector<512x128xf32>,
    return
  }
  func.func @transform_0(%arg0: i32) -> (i32, i32) {
    %c0_i32 = arith.constant 0 : i32
    %c0_i32_0 = arith.constant 0 : i32
    return %arg0, %c0_i32 : i32, i32
  }
  func.func @transform_1(%arg0: i32) -> (i32, i32) {
    %c0_i32 = arith.constant 0 : i32
    %c0_i32_0 = arith.constant 0 : i32
    %c0_i32_1 = arith.constant 0 : i32
    return %c0_i32, %c0_i32_0 : i32, i32
  }
  func.func @transform_2(%arg0: i32) -> (i32, i32) {
    %c0_i32 = arith.constant 0 : i32
    %c0_i32_0 = arith.constant 0 : i32
    return %c0_i32, %arg0 : i32, i32
  }
  func.func @transform_3(%arg0: i32) -> (i32, i32) {
    %c0_i32 = arith.constant 0 : i32
    %c0_i32_0 = arith.constant 0 : i32
    return %arg0, %c0_i32 : i32, i32
  }
  func.func @transform_4(%arg0: i32) -> (i32, i32) {
    %c0_i32 = arith.constant 0 : i32
    %c0_i32_0 = arith.constant 0 : i32
    return %arg0, %c0_i32 : i32, i32
  }
}

module attributes {stable_mosaic.version = 14 : i64} {
  func.func @_tc_mid(%arg0: i32, %arg1: memref<2x512x128xf32, #tpu.memory_space<vmem>>, %arg2: memref<512x128xf32, #tpu.memory_space<vmem>>, %arg3: memref<2x512xf32, #tpu.memory_space<vmem>>, %arg4: memref<1x128xf32, #tpu.memory_space<vmem>>, %arg5: memref<128x128xf32, #tpu.memory_space<vmem>>, %arg6: memref<512x128xf32, #tpu.memory_space<vmem>>, %arg7: memref<512x128xf32, #tpu.memory_space<vmem>>) attributes {dimension_semantics = [#tpu.dimension_semantics<arbitrary>], iteration_bounds = array<i64: 20>, scalar_prefetch = 0 : i64, scratch_operands = 0 : i64, tpu.core_type = #tpu.core_type<tc>, window_params = [{transform_indices = @transform_0, window_bounds = array<i64: 2, 512, 128>}, {transform_indices = @transform_1, window_bounds = array<i64: 512, 128>}, {transform_indices = @transform_2, window_bounds = array<i64: 2, 512>}, {pipeline_mode = #tpu.pipeline_mode<synchronous>, transform_indices = @transform_3, window_bounds = array<i64: 1, 128>}, {pipeline_mode = #tpu.pipeline_mode<synchronous>, transform_indices = @transform_4, window_bounds = array<i64: 128, 128>}, {transform_indices = @transform_5, window_bounds = array<i64: 512, 128>}, {transform_indices = @transform_6, window_bounds = array<i64: 512, 128>}]} {
    %get3A = arith.constant 0 : index
    %get3A_0 = arith.constant 0 : index
    %get3A_1 = vector.load %arg3[%get3A, %get3A_0] : memref<2x512xf32, #tpu.memory_space<vmem>>, vector<2x512xf32>
    %slice3A = vector.extract_strided_slice %get3A_1 {offsets = [0, 0], sizes = [1, 512], strides = [1, 1]} : vector<2x512xf32> to vector<1x512xf32>
    %squeeze3A = vector.shape_cast %slice3A : vector<1x512xf32> to vector<512xf32>
    %slice3A_2 = vector.extract_strided_slice %get3A_1 {offsets = [1, 0], sizes = [1, 512], strides = [1, 1]} : vector<2x512xf32> to vector<1x512xf32>
    %squeeze3A_3 = vector.shape_cast %slice3A_2 : vector<1x512xf32> to vector<512xf32>
    %add3A = arith.addf %squeeze3A, %squeeze3A_3 : vector<512xf32>
    %add3A_4 = arith.constant 1.000000e+00 : f32
    %add3A_5 = vector.broadcast %add3A_4 : f32 to vector<512xf32>
    %add3A_6 = arith.addf %add3A, %add3A_5 : vector<512xf32>
    %rsqrt3A = math.rsqrt %add3A_6 : vector<512xf32>
    %broadcast_in_dim3A = vector.shape_cast %rsqrt3A : vector<512xf32> to vector<512x1xf32>
    %div3A = arith.constant 1.000000e+00 : f32
    %div3A_7 = vector.broadcast %div3A : f32 to vector<512xf32>
    %div3A_8 = arith.divf %div3A_7, %add3A_6 : vector<512xf32>
    %broadcast_in_dim3A_9 = vector.shape_cast %div3A_8 : vector<512xf32> to vector<512x1xf32>
    %get3A_10 = arith.constant 0 : index
    %get3A_11 = arith.constant 0 : index
    %get3A_12 = arith.constant 0 : index
    %get3A_13 = vector.load %arg1[%get3A_10, %get3A_11, %get3A_12] : memref<2x512x128xf32, #tpu.memory_space<vmem>>, vector<1x512x128xf32>
    %get3A_14 = vector.shape_cast %get3A_13 : vector<1x512x128xf32> to vector<512x128xf32>
    %get3A_15 = arith.constant 1 : index
    %get3A_16 = arith.constant 0 : index
    %get3A_17 = arith.constant 0 : index
    %get3A_18 = vector.load %arg1[%get3A_15, %get3A_16, %get3A_17] : memref<2x512x128xf32, #tpu.memory_space<vmem>>, vector<1x512x128xf32>
    %get3A_19 = vector.shape_cast %get3A_18 : vector<1x512x128xf32> to vector<512x128xf32>
    %add3A_20 = arith.addf %get3A_14, %get3A_19 : vector<512x128xf32>
    %mul3A = vector.broadcast %broadcast_in_dim3A : vector<512x1xf32> to vector<512x128xf32>
    %mul3A_21 = arith.mulf %add3A_20, %mul3A : vector<512x128xf32>
    %get3A_22 = arith.constant 0 : index
    %get3A_23 = arith.constant 0 : index
    %get3A_24 = vector.load %arg2[%get3A_22, %get3A_23] : memref<512x128xf32, #tpu.memory_space<vmem>>, vector<512x128xf32>
    %add3A_25 = arith.addf %mul3A_21, %get3A_24 : vector<512x128xf32>
    %get3A_26 = arith.constant 0 : index
    %get3A_27 = arith.constant 0 : index
    %get3A_28 = vector.load %arg4[%get3A_26, %get3A_27] : memref<1x128xf32, #tpu.memory_space<vmem>>, vector<1x128xf32>
    %add3A_29 = vector.broadcast %get3A_28 : vector<1x128xf32> to vector<512x128xf32>
    %add3A_30 = arith.addf %add3A_25, %add3A_29 : vector<512x128xf32>
    %max3A = arith.constant 0.000000e+00 : f32
    %max3A_31 = vector.broadcast %max3A : f32 to vector<512x128xf32>
    %max3A_32 = arith.maximumf %add3A_30, %max3A_31 : vector<512x128xf32>
    %get3A_33 = arith.constant 0 : index
    %get3A_34 = arith.constant 0 : index
    %get3A_35 = vector.load %arg5[%get3A_33, %get3A_34] : memref<128x128xf32, #tpu.memory_space<vmem>>, vector<128x128xf32>
    %dot_general3A = arith.constant dense<0.000000e+00> : vector<512x128xf32>
    %dot_general3A_36 = tpu.matmul %max3A_32, %get3A_35, %dot_general3A {dimension_numbers = #tpu.dot_dimension_numbers<[1], [0], [0], [1], [0, 0, 1, 1], [], []>, transpose_lhs_hint = false} : vector<512x128xf32>, vector<128x128xf32>, vector<512x128xf32> -> vector<512x128xf32>
    %mul3A_37 = vector.broadcast %broadcast_in_dim3A : vector<512x1xf32> to vector<512x128xf32>
    %mul3A_38 = arith.mulf %dot_general3A_36, %mul3A_37 : vector<512x128xf32>
    %swap3A = arith.constant 0 : index
    %swap3A_39 = arith.constant 0 : index
    %swap3A_40 = vector.load %arg6[%swap3A, %swap3A_39] : memref<512x128xf32, #tpu.memory_space<vmem>>, vector<512x128xf32>
    tpu.vector_store %arg6[%swap3A, %swap3A_39], %mul3A_38 {strides = array<i32>} : memref<512x128xf32, #tpu.memory_space<vmem>>, vector<512x128xf32>,
    %mul3A_41 = vector.broadcast %broadcast_in_dim3A_9 : vector<512x1xf32> to vector<512x128xf32>
    %mul3A_42 = arith.mulf %dot_general3A_36, %mul3A_41 : vector<512x128xf32>
    %swap3A_43 = arith.constant 0 : index
    %swap3A_44 = arith.constant 0 : index
    %swap3A_45 = vector.load %arg7[%swap3A_43, %swap3A_44] : memref<512x128xf32, #tpu.memory_space<vmem>>, vector<512x128xf32>
    tpu.vector_store %arg7[%swap3A_43, %swap3A_44], %mul3A_42 {strides = array<i32>} : memref<512x128xf32, #tpu.memory_space<vmem>>, vector<512x128xf32>,
    return
  }
  func.func @transform_0(%arg0: i32) -> (i32, i32, i32) {
    %c0_i32 = arith.constant 0 : i32
    %c0_i32_0 = arith.constant 0 : i32
    %c0_i32_1 = arith.constant 0 : i32
    return %c0_i32, %arg0, %c0_i32_0 : i32, i32, i32
  }
  func.func @transform_1(%arg0: i32) -> (i32, i32) {
    %c0_i32 = arith.constant 0 : i32
    %c0_i32_0 = arith.constant 0 : i32
    return %arg0, %c0_i32 : i32, i32
  }
  func.func @transform_2(%arg0: i32) -> (i32, i32) {
    %c0_i32 = arith.constant 0 : i32
    %c0_i32_0 = arith.constant 0 : i32
    return %c0_i32, %arg0 : i32, i32
  }
  func.func @transform_3(%arg0: i32) -> (i32, i32) {
    %c0_i32 = arith.constant 0 : i32
    %c0_i32_0 = arith.constant 0 : i32
    %c0_i32_1 = arith.constant 0 : i32
    return %c0_i32, %c0_i32_0 : i32, i32
  }
  func.func @transform_4(%arg0: i32) -> (i32, i32) {
    %c0_i32 = arith.constant 0 : i32
    %c0_i32_0 = arith.constant 0 : i32
    %c0_i32_1 = arith.constant 0 : i32
    return %c0_i32, %c0_i32_0 : i32, i32
  }
  func.func @transform_5(%arg0: i32) -> (i32, i32) {
    %c0_i32 = arith.constant 0 : i32
    %c0_i32_0 = arith.constant 0 : i32
    return %arg0, %c0_i32 : i32, i32
  }
  func.func @transform_6(%arg0: i32) -> (i32, i32) {
    %c0_i32 = arith.constant 0 : i32
    %c0_i32_0 = arith.constant 0 : i32
    return %arg0, %c0_i32 : i32, i32
  }
}

module attributes {stable_mosaic.version = 14 : i64} {
  func.func @_tc_final(%arg0: i32, %arg1: memref<2x512x128xf32, #tpu.memory_space<vmem>>, %arg2: memref<512x128xf32, #tpu.memory_space<vmem>>, %arg3: memref<2x512xf32, #tpu.memory_space<vmem>>, %arg4: memref<1x128xf32, #tpu.memory_space<vmem>>, %arg5: memref<512x128xf32, #tpu.memory_space<vmem>>) attributes {dimension_semantics = [#tpu.dimension_semantics<arbitrary>], iteration_bounds = array<i64: 20>, scalar_prefetch = 0 : i64, scratch_operands = 0 : i64, tpu.core_type = #tpu.core_type<tc>, window_params = [{transform_indices = @transform_0, window_bounds = array<i64: 2, 512, 128>}, {transform_indices = @transform_1, window_bounds = array<i64: 512, 128>}, {transform_indices = @transform_2, window_bounds = array<i64: 2, 512>}, {pipeline_mode = #tpu.pipeline_mode<synchronous>, transform_indices = @transform_3, window_bounds = array<i64: 1, 128>}, {transform_indices = @transform_4, window_bounds = array<i64: 512, 128>}]} {
    %get3A = arith.constant 0 : index
    %get3A_0 = arith.constant 0 : index
    %get3A_1 = vector.load %arg3[%get3A, %get3A_0] : memref<2x512xf32, #tpu.memory_space<vmem>>, vector<2x512xf32>
    %slice3A = vector.extract_strided_slice %get3A_1 {offsets = [0, 0], sizes = [1, 512], strides = [1, 1]} : vector<2x512xf32> to vector<1x512xf32>
    %squeeze3A = vector.shape_cast %slice3A : vector<1x512xf32> to vector<512xf32>
    %slice3A_2 = vector.extract_strided_slice %get3A_1 {offsets = [1, 0], sizes = [1, 512], strides = [1, 1]} : vector<2x512xf32> to vector<1x512xf32>
    %squeeze3A_3 = vector.shape_cast %slice3A_2 : vector<1x512xf32> to vector<512xf32>
    %add3A = arith.addf %squeeze3A, %squeeze3A_3 : vector<512xf32>
    %add3A_4 = arith.constant 1.000000e+00 : f32
    %add3A_5 = vector.broadcast %add3A_4 : f32 to vector<512xf32>
    %add3A_6 = arith.addf %add3A, %add3A_5 : vector<512xf32>
    %rsqrt3A = math.rsqrt %add3A_6 : vector<512xf32>
    %broadcast_in_dim3A = vector.shape_cast %rsqrt3A : vector<512xf32> to vector<512x1xf32>
    %get3A_7 = arith.constant 0 : index
    %get3A_8 = arith.constant 0 : index
    %get3A_9 = arith.constant 0 : index
    %get3A_10 = vector.load %arg1[%get3A_7, %get3A_8, %get3A_9] : memref<2x512x128xf32, #tpu.memory_space<vmem>>, vector<1x512x128xf32>
    %get3A_11 = vector.shape_cast %get3A_10 : vector<1x512x128xf32> to vector<512x128xf32>
    %get3A_12 = arith.constant 1 : index
    %get3A_13 = arith.constant 0 : index
    %get3A_14 = arith.constant 0 : index
    %get3A_15 = vector.load %arg1[%get3A_12, %get3A_13, %get3A_14] : memref<2x512x128xf32, #tpu.memory_space<vmem>>, vector<1x512x128xf32>
    %get3A_16 = vector.shape_cast %get3A_15 : vector<1x512x128xf32> to vector<512x128xf32>
    %add3A_17 = arith.addf %get3A_11, %get3A_16 : vector<512x128xf32>
    %mul3A = vector.broadcast %broadcast_in_dim3A : vector<512x1xf32> to vector<512x128xf32>
    %mul3A_18 = arith.mulf %add3A_17, %mul3A : vector<512x128xf32>
    %get3A_19 = arith.constant 0 : index
    %get3A_20 = arith.constant 0 : index
    %get3A_21 = vector.load %arg2[%get3A_19, %get3A_20] : memref<512x128xf32, #tpu.memory_space<vmem>>, vector<512x128xf32>
    %add3A_22 = arith.addf %mul3A_18, %get3A_21 : vector<512x128xf32>
    %get3A_23 = arith.constant 0 : index
    %get3A_24 = arith.constant 0 : index
    %get3A_25 = vector.load %arg4[%get3A_23, %get3A_24] : memref<1x128xf32, #tpu.memory_space<vmem>>, vector<1x128xf32>
    %add3A_26 = vector.broadcast %get3A_25 : vector<1x128xf32> to vector<512x128xf32>
    %add3A_27 = arith.addf %add3A_22, %add3A_26 : vector<512x128xf32>
    %swap3A = arith.constant 0 : index
    %swap3A_28 = arith.constant 0 : index
    %swap3A_29 = vector.load %arg5[%swap3A, %swap3A_28] : memref<512x128xf32, #tpu.memory_space<vmem>>, vector<512x128xf32>
    tpu.vector_store %arg5[%swap3A, %swap3A_28], %add3A_27 {strides = array<i32>} : memref<512x128xf32, #tpu.memory_space<vmem>>, vector<512x128xf32>,
    return
  }
  func.func @transform_0(%arg0: i32) -> (i32, i32, i32) {
    %c0_i32 = arith.constant 0 : i32
    %c0_i32_0 = arith.constant 0 : i32
    %c0_i32_1 = arith.constant 0 : i32
    return %c0_i32, %arg0, %c0_i32_0 : i32, i32, i32
  }
  func.func @transform_1(%arg0: i32) -> (i32, i32) {
    %c0_i32 = arith.constant 0 : i32
    %c0_i32_0 = arith.constant 0 : i32
    return %arg0, %c0_i32 : i32, i32
  }
  func.func @transform_2(%arg0: i32) -> (i32, i32) {
    %c0_i32 = arith.constant 0 : i32
    %c0_i32_0 = arith.constant 0 : i32
    return %c0_i32, %arg0 : i32, i32
  }
  func.func @transform_3(%arg0: i32) -> (i32, i32) {
    %c0_i32 = arith.constant 0 : i32
    %c0_i32_0 = arith.constant 0 : i32
    %c0_i32_1 = arith.constant 0 : i32
    return %c0_i32, %c0_i32_0 : i32, i32
  }
  func.func @transform_4(%arg0: i32) -> (i32, i32) {
    %c0_i32 = arith.constant 0 : i32
    %c0_i32_0 = arith.constant 0 : i32
    return %arg0, %c0_i32 : i32, i32
  }
}

</mosaic_0001>

<sc_bundles>
// kernel: kernel.11.cloned.1.call-start
scs
__scs_entry_jumppad:
0x0: {  	(pc) =	sbr.rel $0x88, $3  }
0x1: {  	(tag) =	ssettag $0x0;
	lr =	simm.s32 $0x1  }
0x2: {  	[smem:$0x3F99] =	sst lr;
	_ =	strace $0xD0000000  }
0x3: {  	_ = 	snop  }
0x4: {  	_ = 	snop  }
0x5: {  	_ = 	snop  }
0x6: {  	_ = 	snop  }
0x7: {  	_ = 	snop  }
__scs_overlays_trampoline_lowered:
0x8: {  	[smem:$0x3FA8] =	sst s0  }
0x9: {  	[smem:$0x3FA9] =	sst s1  }
0xa: {  	[smem:$0x3FAA] =	sst s2  }
0xb: {  	[smem:$0x3FAB] =	sst s3  }
0xc: {  	[smem:$0x3FAC] =	sst s4  }
0xd: {  	[smem:$0x3FAD] =	sst s5  }
0xe: {  	[smem:$0x3FAE] =	sst s6  }
0xf: {  	[smem:$0x3FAF] =	sst s7  }
0x10: {  	[smem:$0x3FB0] =	sst s8  }
0x11: {  	[smem:$0x3FB1] =	sst s9;
	s0 =	simm.s32 @!p0 $0x0  }
0x12: {  	s1 =	sld [smem:$0x3F97];
	s0 =	simm.s32 @p0 $0x1  }
0x13: {  	[smem:$0x3FB2] =	sst s0;
	s0 =	simm.s32 @!p1 $0x0  }
0x14: {  	s2 =	sld [smem:$0x3F96];
	s0 =	simm.s32 @p1 $0x1  }
0x15: {  	[smem:$0x3FB3] =	sst s0;
	s0 =	simm.s32 @!p2 $0x0  }
0x16: {  	s3 =	sld [smem:$0x3FDB];
	s0 =	simm.s32 @p2 $0x1  }
0x17: {  	s4 =	simm.s32 $0x1BF5;
	[smem:$0x3FB5] =	sst s0  }
0x18: {  	s0 =	sld [smem:$0x3F98];
	_ =	swait.ge [sflag:s4], $0x0  }
0x19: {  	s7 =	sld [smem:$0x3F99]  }
0x1a: {  	s8 =	sadd.s32 $0xFFFFE003, lr  }
0x1b: {  	s9 =	sadd.s32 $0xFFFFFEF7, lr;
	s5 =	simm.s32 $0xFFFFFFFF;
	p2 =	slt.u32 s8, $0xFFFFF086  }
0x1c: {  	p1 =	slt.u32 s9, $0xF7A;
	s5 =	simm.s32 @!p2 $0x0  }
0x1d: {  	s5 =	simm.s32 @p1 $0x1;
	p0 =	seq.s32 s7, s2  }
0x1e: {  	s7 =	smul.u32 @!p0 $0xF7A, s2;
	p2 =	seq.s32 @!p0 s5, $0x0  }
0x1f: {  	s9 =	smul.u32 $0xF7A, s1;
	s8 =	simm.s32 @!p0 $0x1BF5;
	p2 =	por !p2, p0  }
0x20: {  	[sflag:s8] =	ssyncset.s32 @!p0 $0xFFFFF086;
	s6 =	sadd.s32 @!p0 s3, s7;
	s7 =	simm.s32 @!p0 $0x108  }
0x21: {  	s3 =	sadd.s32 s3, s9;
	s6 =	sadd.s32 @!p0 $0x88, s6;
	s7 =	simm.s32 @p2 $0x1082  }
0x22: {  	[simem:s7], [sflag:s8] =	dma.local @!p0 [hbm:s6], $0xF7A  }
0x23: {  	s9 =	sor.u32 $0xD0000000, s2;
	s6 =	simm.s32 $0x108;
	_ =	swait.ge @!p0 [sflag:s8], $0x0  }
0x24: {  	s3 =	sadd.s32 $0x88, s3;
	s6 =	simm.s32 @!p1 $0x1082;
	[sflag:s4] =	ssyncset.s32 $0xFFFFF086  }
0x25: {  	[simem:s6], [sflag:s4] =	dma.local [hbm:s3], $0xF7A  }
0x26: {  	[smem:$0x3F99] =	sst s1;
	(tag) =	ssettag s2;
	_ =	strace s9  }
0x27: {  	s1 =	sld [smem:$0x3FA9]  }
0x28: {  	s2 =	sld [smem:$0x3FAA]  }
0x29: {  	s4 =	sld [smem:$0x3FAC]  }
0x2a: {  	p0 =	seq.s32 s5, $0x0;
	s5 =	sld [smem:$0x3FAD]  }
0x2b: {  	s6 =	sld [smem:$0x3FAE]  }
0x2c: {  	s7 =	sld [smem:$0x3FAF]  }
0x2d: {  	s3 =	simm.s32 $0x108;
	s8 =	sld [smem:$0x3FB0]  }
0x2e: {  	s3 =	simm.s32 @!p0 $0x1082;
	s9 =	sld [smem:$0x3FB1]  }
0x2f: {  	lr =	sadd.s32 s0, s3;
	s0 =	sld [smem:$0x3FA8]  }
0x30: {  	s3 =	sld [smem:$0x3FAB]  }
0x31: {  	[smem:$0x3FB4] =	sst s10  }
0x32: {  	s10 =	sld [smem:$0x3FB2];
	_ =	sdelay $0x3  }
0x33: {  	p0 =	seq.s32 s10, $0x1;
	s10 =	sld [smem:$0x3FB4];
	_ =	sdelay $0x3  }
0x34: {  	[smem:$0x3FB4] =	sst s10  }
0x35: {  	s10 =	sld [smem:$0x3FB3];
	_ =	sdelay $0x3  }
0x36: {  	p1 =	seq.s32 s10, $0x1;
	s10 =	sld [smem:$0x3FB4];
	_ =	sdelay $0x3  }
0x37: {  	[smem:$0x3FB4] =	sst s10  }
0x38: {  	s10 =	sld [smem:$0x3FB5]  }
0x39: {  	_ = 	snop;
	(pc) =	sbr.ind lr, $3  }
0x3a: {  	_ = 	snop  }
0x3b: {  	_ = 	snop  }
0x3c: {  	p2 =	seq.s32 s10, $0x1;
	s10 =	sld [smem:$0x3FB4]  }
0x3d: {  	_ =	shalt  }
0x3e: {  	_ =	shalt  }
0x3f: {  	_ =	shalt  }
0x40: {  	_ =	shalt  }
0x41: {  	_ =	shalt  }
0x42: {  	_ =	shalt  }
0x43: {  	_ =	shalt  }
0x44: {  	_ =	shalt  }
0x45: {  	_ =	shalt  }
0x46: {  	_ =	shalt  }
0x47: {  	_ =	shalt  }
0x48: {  	_ =	shalt  }
0x49: {  	_ =	shalt  }
0x4a: {  	_ =	shalt  }
0x4b: {  	_ =	shalt  }
0x4c: {  	_ =	shalt  }
0x4d: {  	_ =	shalt  }
0x4e: {  	_ =	shalt  }
0x4f: {  	_ =	shalt  }
0x50: {  	_ =	shalt  }
0x51: {  	_ =	shalt  }
0x52: {  	_ =	shalt  }
0x53: {  	_ =	shalt  }
0x54: {  	_ =	shalt  }
0x55: {  	_ =	shalt  }
0x56: {  	_ =	shalt  }
0x57: {  	_ =	shalt  }
0x58: {  	_ =	shalt  }
0x59: {  	_ =	shalt  }
0x5a: {  	_ =	shalt  }
0x5b: {  	_ =	shalt  }
0x5c: {  	_ =	shalt  }
0x5d: {  	_ =	shalt  }
0x5e: {  	_ =	shalt  }
0x5f: {  	_ =	shalt  }
0x60: {  	_ =	shalt  }
0x61: {  	_ =	shalt  }
0x62: {  	_ =	shalt  }
0x63: {  	_ =	shalt  }
0x64: {  	_ =	shalt  }
0x65: {  	_ =	shalt  }
0x66: {  	_ =	shalt  }
0x67: {  	_ =	shalt  }
0x68: {  	_ =	shalt  }
0x69: {  	_ =	shalt  }
0x6a: {  	_ =	shalt  }
0x6b: {  	_ =	shalt  }
0x6c: {  	_ =	shalt  }
0x6d: {  	_ =	shalt  }
0x6e: {  	_ =	shalt  }
0x6f: {  	_ =	shalt  }
0x70: {  	_ =	shalt  }
0x71: {  	_ =	shalt  }
0x72: {  	_ =	shalt  }
0x73: {  	_ =	shalt  }
0x74: {  	_ =	shalt  }
0x75: {  	_ =	shalt  }
0x76: {  	_ =	shalt  }
0x77: {  	_ =	shalt  }
0x78: {  	_ =	shalt  }
0x79: {  	_ =	shalt  }
0x7a: {  	_ =	shalt  }
0x7b: {  	_ =	shalt  }
0x7c: {  	_ =	shalt  }
0x7d: {  	_ =	shalt  }
0x7e: {  	_ =	shalt  }
0x7f: {  	_ =	shalt  }
0x80: {  	_ =	shalt  }
0x81: {  	_ =	shalt  }
0x82: {  	_ =	shalt  }
0x83: {  	_ =	shalt  }
0x84: {  	_ =	shalt  }
0x85: {  	_ =	shalt  }
0x86: {  	_ =	shalt  }
0x87: {  	_ =	shalt  }
.Lfunc_end0:
.L_simem_size_0:
called_computation.1_lowered:
.L_overlay_start_0:
0x88: {  	s2 =	sld [smem:$0x3FD9]  }
0x89: {  	s3 =	sld [smem:$0x3FFE];
	_ =	sdelay $0x1  }
0x8a: {  	s1 =	srdreg.scid  }
0x8b: {  	s0 =	sand.u32 $0x1, s1  }
0x8c: {  	s14 =	sshll.u32 s0, $0xA;
	s2 =	sadd.s32 s3, s2  }
0x8d: {  	s2 =	sadd.s32 s2, s14  }
0x8e: {  	[smem:$0x3FC0] =	sst s2  }
0x8f: {  	_ = 	snop  }
0x90: {  	s2 =	sld [smem:$0x3FD0];
	_ =	sdelay $0x2  }
0x91: {  	s15 =	simm.s32 $0xA;
	s4 =	simm.s32 $0x10  }
0x92: {  	[smem:s4], [sflag:s15] =	dma.local [hbm:s2], $0x1  }
0x93: {  	_ =	swait.eq [sflag:s15], $0x1  }
0x94: {  	[sflag:s15] =	ssyncset.done $0x0  }
0x95: {  	s16 =	sld [smem:$0x10];
	[sflag:s15] =	ssyncadd.s32 $0xFFFFFFFF  }
0x96: {  	s17 =	sld [smem:$0x11];
	(tm) =	ssettm $0x1  }
0x97: {  	s18 =	sld [smem:$0x3FFB];
	_ =	sdelay $0x3  }
0x98: {  	_ =	strace s18  }
0x99: {  	s4 =	sld [smem:$0x3FFC];
	_ =	sdelay $0x3  }
0x9a: {  	_ =	strace s4  }
0x9b: {  	s4 =	sld [smem:$0x3FFD];
	_ =	sdelay $0x3  }
0x9c: {  	_ =	strace s4  }
0x9d: {  	_ =	strace $0x8FFFFFFF  }
0x9e: {  	s19 =	sld [smem:$0x3FDB];
	_ =	sdelay $0x1  }
0x9f: {  	s5 =	simm.s32 $_scs_section_size  }
0xa0: {  	s6 =	simm.s32 $_size__tile_overlayer_lowered;
	s7 =	simm.s32 $_tile_overlayer_lowered  }
0xa1: {  	s22 =	simm.s32 $0x1BFF;
	s21 =	sshll.u32 s7, $0x1;
	s4 =	sadd.s32 s5, s19  }
0xa2: {  	s8 =	simm.s32 $0x0;
	s20 =	sshll.u32 s6, $0x1;
	s6 =	sadd.s32 s21, s4  }
0xa3: {  	[timem:s8], [sflag:s22] =	dma.local [hbm:s6], s20  }
0xa4: {  	_ =	swait.ge [sflag:s22], s20  }
0xa5: {  	s5 =	ssub.s32 $0x0, s20;
	[sflag:s22] =	ssyncset.done $0x0  }
0xa6: {  	[sflag:s22] =	ssyncadd.s32 s5;
	_ =	sdelay $0x1  }
0xa7: {  	s23 =	simm.s32 $0x1B8B  }
0xa8: {  	_ =	swait.ge [sflag:s23], $0x1  }
0xa9: {  	[sflag:s23] =	ssyncset.done $0x0  }
0xaa: {  	s25 =	simm.s32 $0x1B8E;
	s24 =	sld [smem:$0x3FFE];
	[sflag:s23] =	ssyncadd.s32 $0xFFFFFFFF  }
0xab: {  	s26 =	simm.s32 $execute0_lowered;
	[smem:$0x3FD2] =	sst s25  }
0xac: {  	s6 =	sshll.u32 s26, $0x1;
	_ =	strace $0x80000049;
	[dreg:$0x1] =	wrdreg $0xFFFFFFFF  }
0xad: {  	s28 =	simm.s32 $_size_execute0_lowered;
	s4 =	sadd.s32 s4, s6;
	[dreg:$0x0] =	wrdreg $0x0  }
0xae: {  	s6 =	sshll.u32 s28, $0x1;
	[dreg:$0x2] =	wrdreg s4  }
0xaf: {  	[dreg:$0x3] =	wrdreg s6  }
0xb0: {  	[dreg:$0x4] =	wrdreg $0xC0  }
0xb1: {  	_ =	task [dreg:s8], $0x5FFFF  }
0xb2: {  	[dreg:$0x1] =	wrdreg $0xFFFFFFFF  }
0xb3: {  	[dreg:$0x0] =	wrdreg $0x60  }
0xb4: {  	[dreg:$0x2] =	wrdreg s24  }
0xb5: {  	[dreg:$0x3] =	wrdreg s16  }
0xb6: {  	[dreg:$0x4] =	wrdreg s17  }
0xb7: {  	[dreg:$0x5] =	wrdreg $0x90000  }
0xb8: {  	[dreg:$0x6] =	wrdreg $0x9  }
0xb9: {  	_ =	task.clear_ibuf [dreg:s8], $0x7FFFF;
	_ =	strace $0x90000049  }
0xba: {  	s29 =	simm.s32 $0x9;
	_ =	strace $0x8000004B  }
0xbb: {  	_ =	swait.ge [sflag:s29], $0x1  }
0xbc: {  	[sflag:s29] =	ssyncadd.s32 $0xFFFFFFFF  }
0xbd: {  	_ =	strace $0x9000004B  }
0xbe: {  	_ =	sfence  }
0xbf: {  	s30 =	sld [smem:$0x0];
	_ =	sdelay $0x2  }
0xc0: {  	s31 =	sshll.u32 s1, $0xD;
	s1 =	sshrl.u32 s1, $0x2  }
0xc1: {  	s3 =	sand.u32 $0x4000, s31;
	s1 =	sadd.s32 s1, s30  }
0xc2: {  	s0 =	sor.u32 s3, s0;
	s1 =	sshll.u32 s1, $0x11  }
0xc3: {  	s0 =	sor.u32 s1, s0  }
0xc4: {  	s0 =	sadd.s32 $0x8F2B, s0  }
0xc5: {  	[sflag:s0] =	ssyncadd.remote.s32 $0x1  }
0xc6: {  	_ =	sfence.sel $0xFFFF  }
0xc7: {  	[dreg:$0x0] =	wrdreg $0xFFFFFFFF;
	(pc) =	sbr.abs _section_cstart, $3  }
0xc8: {  	[dreg:$0x1] =	wrdreg $0xFFFFFFFF  }
0xc9: {  	_ =	task.clear_ibuf [dreg:s8], $0x2FFFF;
	_ =	strace $0x9FFFFFFF  }
0xca: {  	(tm) =	ssettm $0x7FFFFFFF  }
0xcb: {  	_ =	shalt  }
tec
execute0_lowered:
.L_overlay_start_1:
0x0: {  	(tag) =	ssettag $0x1  }
0x1: {  	s5 =	rddreg [dreg:$0x0]  }
0x2: {  	s6 =	rddreg [dreg:$0x1]  }
0x3: {  	s7 =	rddreg [dreg:$0x2]  }
0x4: {  	s0 =	srdreg.scid;
	s2 =	rddreg [dreg:$0x3];
	s3 =	simm.s32 $0x0  }
0x5: {  	s28 =	simm.s32 $0x0;
	s4 =	sand.u32 $0x1, s0;
	s0 =	stileid.u32  }
0x6: {  	[smem:$0x7FF] =	sst s3;
	s18 =	sadd.s32 $0x2A600, s5;
	s9 =	smul.u32 $0x50000, s0  }
0x7: {  	s1 =	sshll.u32 s4, $0x4;
	s10 =	ssub.s32 $0x2, s4;
	s16 =	smul.u32 $0x140000, s4  }
0x8: {  	_ =	strace $0x8000004A;
	s17 =	smul.u32 $0x14000, s0;
	s1 =	sor.u32 s0, s1  }
0x9: {  	s4 =	sadd.s32 $0x2600, s5;
	s11 =	sshrl.u32 s10, $0x1;
	s8 =	smul.u32 $0x500, s1  }
0xa: {  	s10 =	ssub.s32 s10, s11;
	s9 =	sshrl.u32 s9, $0x2;
	s23 =	sadd.s32 s16, s17  }
0xb: {  	s15 =	sadd.s32 $0x4000, s17;
	s19 =	sadd.s32 $0x8000, s17;
	s26 =	sadd.s32 $0xC000, s17  }
0xc: {  	s24 =	sshrl.u32 s23, $0x3;
	s13 =	sadd.s32 s16, s15;
	s20 =	sadd.s32 s16, s19  }
0xd: {  	s22 =	sadd.s32 s15, s2;
	s21 =	sadd.s32 s16, s26;
	s23 =	sadd.s32 $0x10000, s17  }
0xe: {  	s5 =	sadd.s32 s6, s8;
	s6 =	sadd.s32 s7, s8;
	s7 =	sadd.s32 s9, s2  }
0xf: {  	s8 =	sadd.s32 s18, s24;
	s9 =	smax.u32 s10, $0x1;
	s14 =	sshrl.u32 s13, $0x3  }
0x10: {  	s25 =	sshrl.u32 s20, $0x3;
	s24 =	sadd.s32 s19, s2;
	s29 =	sshrl.u32 s21, $0x3  }
0x11: {  	s30 =	sadd.s32 s16, s23;
	s19 =	simm.s32 $0x2800;
	s20 =	simm.s32 $0x5000  }
0x12: {  	s21 =	simm.s32 $0x80;
	s22 =	sshrl.u32 s22, $0x3;
	s10 =	sadd.s32 $0x4000, s7  }
0x13: {  	s11 =	sadd.s32 $0x8000, s7;
	s12 =	sadd.s32 $0xC000, s7;
	s13 =	sadd.s32 $0x10000, s7  }
0x14: {  	s14 =	sadd.s32 s18, s14;
	s15 =	sadd.s32 s18, s25;
	s16 =	sadd.s32 s18, s29  }
0x15: {  	s25 =	sadd.s32 s26, s2;
	s31 =	sshrl.u32 s30, $0x3;
	s26 =	sadd.s32 s23, s2  }
0x16: {  	s23 =	sshrl.u32 s24, $0x3;
	s17 =	sadd.s32 s18, s31;
	s18 =	simm.s32 $0x2  }
0x17: {  	v0 =	vimm.f32 $0.0e+00;
	s24 =	sshrl.u32 s25, $0x3;
	s25 =	sshrl.u32 s26, $0x3;
	s26 =	simm.s32 $0x1  }
.LBB2_1:
0x18: {  	[tilespmem:s3], [sflag:$0x2] =	stream.linear.gather [hbm4b:s5+s3], $0x2780, $0x38;
	[tilespmem:$0x1D000] =	vst v63  }
0x19: {  	_ =	swait.ge [sflag:s18], $0x2780  }
0x1a: {  	[sflag:s18] =	ssyncset.done $0x0  }
0x1b: {  	[sflag:s18] =	ssyncadd.s32 $0xFFFFD880  }
0x1c: {  	[tilespmem:s19], [sflag:$0x2] =	stream.linear.gather [hbm4b:s6+s3], $0x2780, $0x38;
	[tilespmem:$0x1D000] =	vst v63  }
0x1d: {  	_ =	swait.ge [sflag:s18], $0x2780  }
0x1e: {  	[sflag:s18] =	ssyncset.done $0x0  }
0x1f: {  	s29 =	simm.s32 $0x0;
	s30 =	simm.s32 $0x200;
	[sflag:s18] =	ssyncadd.s32 $0xFFFFD880  }
.LBB2_2:
0x20: {  	p0 =	sne.s32 s30, $0xFE00;
	[tilespmem:s29+$0x5070] =	vst v0  }
0x21: {  	[tilespmem:s29+$0x5000] =	vst v0  }
0x22: {  	[tilespmem:s29+$0x5010] =	vst v0  }
.Ltmp0:
0x23: {  	[tilespmem:s29+$0x5020] =	vst v0;
	(pc) =	sbr.rel @p0 .LBB2_2-.Ltmp0, $4  }
0x24: {  	[tilespmem:s29+$0x5030] =	vst v0  }
0x25: {  	[tilespmem:s29+$0x5040] =	vst v0  }
0x26: {  	[tilespmem:s29+$0x5050] =	vst v0  }
0x27: {  	[tilespmem:s29+$0x5060] =	vst v0;
	s29 =	sshra.s32 s30, $0x2;
	s30 =	sadd.s32 $0x200, s30  }
0x28: {  	[tilespmem:s29+$0x5070] =	vst v0  }
0x29: {  	[tilespmem:s29+$0x5000] =	vst v0  }
0x2a: {  	[tilespmem:s29+$0x5010] =	vst v0  }
0x2b: {  	[tilespmem:s29+$0x5020] =	vst v0  }
0x2c: {  	[tilespmem:s29+$0x5030] =	vst v0  }
0x2d: {  	[tilespmem:s29+$0x5040] =	vst v0  }
0x2e: {  	[tilespmem:s29+$0x5050] =	vst v0  }
0x2f: {  	[tilespmem:s29+$0x5060] =	vst v0  }
0x30: {  	[spmem:s7] =	stream.linear.scatter [tilespmem:s20], [sflag:$0x2], $0x4000, $0x38;
	[tilespmem:$0x1D000] =	vst v63  }
0x31: {  	_ =	swait.ge [sflag:s18], $0x4000  }
0x32: {  	[sflag:s18] =	ssyncset.done $0x0  }
0x33: {  	[sflag:s18] =	ssyncadd.s32 $0xFFFFC000  }
0x34: {  	[spmem:s10] =	stream.linear.scatter [tilespmem:s20], [sflag:$0x2], $0x4000, $0x38;
	[tilespmem:$0x1D000] =	vst v63  }
0x35: {  	_ =	swait.ge [sflag:s18], $0x4000  }
0x36: {  	[sflag:s18] =	ssyncset.done $0x0  }
0x37: {  	[sflag:s18] =	ssyncadd.s32 $0xFFFFC000  }
0x38: {  	[spmem:s11] =	stream.linear.scatter [tilespmem:s20], [sflag:$0x2], $0x4000, $0x38;
	[tilespmem:$0x1D000] =	vst v63  }
0x39: {  	_ =	swait.ge [sflag:s18], $0x4000  }
0x3a: {  	[sflag:s18] =	ssyncset.done $0x0  }
0x3b: {  	[sflag:s18] =	ssyncadd.s32 $0xFFFFC000  }
0x3c: {  	[spmem:s12] =	stream.linear.scatter [tilespmem:s20], [sflag:$0x2], $0x4000, $0x38;
	[tilespmem:$0x1D000] =	vst v63  }
0x3d: {  	_ =	swait.ge [sflag:s18], $0x4000  }
0x3e: {  	[sflag:s18] =	ssyncset.done $0x0  }
0x3f: {  	[sflag:s18] =	ssyncadd.s32 $0xFFFFC000  }
0x40: {  	[spmem:s13] =	stream.linear.scatter [tilespmem:s20], [sflag:$0x2], $0x4000, $0x38;
	[tilespmem:$0x1D000] =	vst v63  }
0x41: {  	_ =	swait.ge [sflag:s18], $0x4000  }
0x42: {  	[sflag:s18] =	ssyncset.done $0x0  }
0x43: {  	[sflag:s18] =	ssyncadd.s32 $0xFFFFC000  }
0x44: {  	s29 =	simm.s32 $0x0;
	[bflag:$0x0] =	sbarrier.arrive $0xFFFF  }
0x45: {  	[tilespmem:s20], [sflag:$0x1] =	stream.indirect.gather [hbm4b:s4+s21], $0x80, s29, s21, $0xb8;
	[tilespmem:$0x1D000] =	vst v63  }
0x46: {  	_ =	swait.ge [sflag:s26], $0x4000  }
0x47: {  	[sflag:s26] =	ssyncset.done $0x0  }
0x48: {  	s29 =	simm.s32 $0x2800;
	[sflag:s26] =	ssyncadd.s32 $0xFFFFC000  }
0x49: {  	[spmem:s2] =	stream.indirect.scatter.add.f32 [tilespmem:s20], [sflag:$0x2], $0x80, s29, s21, $0xb8;
	[tilespmem:$0x1D000] =	vst v63  }
0x4a: {  	_ =	swait.ge [sflag:s18], $0x4000  }
0x4b: {  	s30 =	simm.s32 $0x400;
	s29 =	simm.s32 $0x200;
	[sflag:s18] =	ssyncset.done $0x0  }
.LBB2_4:
0x4c: {  	s31 =	sshra.s32 s29, $0x2  }
0x4d: {  	[sflag:s18] =	ssyncadd.s32 $0xFFFFC000;
	s29 =	smov.u32 s30;
	s1 =	sadd.s32 $0x200, s30  }
0x4e: {  	[tilespmem:s20], [sflag:$0x1] =	stream.indirect.gather [hbm4b:s4+s21], $0x80, s31, s21, $0xb8;
	[tilespmem:$0x1D000] =	vst v63  }
0x4f: {  	p0 =	sne.s32 s30, $0x9C00;
	_ =	swait.ge [sflag:s26], $0x4000  }
.Ltmp1:
0x50: {  	[sflag:s26] =	ssyncset.done $0x0;
	(pc) =	sbr.rel @p0 .LBB2_4-.Ltmp1, $4  }
0x51: {  	s30 =	sadd.s32 $0x2800, s31;
	[sflag:s26] =	ssyncadd.s32 $0xFFFFC000  }
0x52: {  	[spmem:s2] =	stream.indirect.scatter.add.f32 [tilespmem:s20], [sflag:$0x2], $0x80, s30, s21, $0xb8;
	[tilespmem:$0x1D000] =	vst v63  }
0x53: {  	_ =	swait.ge [sflag:s18], $0x4000  }
0x54: {  	s30 =	smov.u32 s1;
	[sflag:s18] =	ssyncset.done $0x0  }
0x55: {  	s1 =	sshra.s32 s29, $0x2;
	[sflag:s18] =	ssyncadd.s32 $0xFFFFC000  }
0x56: {  	[tilespmem:s20], [sflag:$0x1] =	stream.indirect.gather [hbm4b:s4+s21], $0x80, s1, s21, $0xb8;
	[tilespmem:$0x1D000] =	vst v63  }
0x57: {  	_ =	swait.ge [sflag:s26], $0x4000  }
0x58: {  	[sflag:s26] =	ssyncset.done $0x0  }
0x59: {  	s1 =	sadd.s32 $0x2800, s1;
	[sflag:s26] =	ssyncadd.s32 $0xFFFFC000  }
0x5a: {  	[spmem:s2] =	stream.indirect.scatter.add.f32 [tilespmem:s20], [sflag:$0x2], $0x80, s1, s21, $0xb8;
	[tilespmem:$0x1D000] =	vst v63  }
0x5b: {  	_ =	swait.ge [sflag:s18], $0x4000  }
0x5c: {  	[sflag:s18] =	ssyncset.done $0x0  }
0x5d: {  	s30 =	sshll.u32 s0, $0x6;
	[sflag:s18] =	ssyncadd.s32 $0xFFFFC000  }
0x5e: {  	s31 =	sshrl.u32 s7, $0x3;
	s1 =	sor.u32 $0x1C02, s30;
	[bflag:$0x0] =	sbarrier.arrive $0xFFFF  }
0x5f: {  	[hbm:s8], [sflag:s1] =	dma.local [spmem:s31], $0x800  }
0x60: {  	_ =	swait.ge [sflag:s18], $0x800  }
0x61: {  	[sflag:s18] =	ssyncset.done $0x0  }
0x62: {  	[sflag:s18] =	ssyncadd.s32 $0xFFFFF800  }
0x63: {  	[hbm:s14], [sflag:s1] =	dma.local [spmem:s22], $0x800  }
0x64: {  	_ =	swait.ge [sflag:s18], $0x800  }
0x65: {  	[sflag:s18] =	ssyncset.done $0x0  }
0x66: {  	[sflag:s18] =	ssyncadd.s32 $0xFFFFF800  }
0x67: {  	[hbm:s15], [sflag:s1] =	dma.local [spmem:s23], $0x800  }
0x68: {  	_ =	swait.ge [sflag:s18], $0x800  }
0x69: {  	[sflag:s18] =	ssyncset.done $0x0  }
0x6a: {  	[sflag:s18] =	ssyncadd.s32 $0xFFFFF800  }
0x6b: {  	[hbm:s16], [sflag:s1] =	dma.local [spmem:s24], $0x800  }
0x6c: {  	s28 =	sadd.s32 $0x1, s28;
	_ =	swait.ge [sflag:s18], $0x800  }
0x6d: {  	p0 =	sne.s32 s28, s9;
	[sflag:s18] =	ssyncset.done $0x0  }
.Ltmp2:
0x6e: {  	[sflag:s18] =	ssyncadd.s32 $0xFFFFF800;
	(pc) =	sbr.rel @p0 .LBB2_1-.Ltmp2, $4  }
0x6f: {  	[hbm:s17], [sflag:s1] =	dma.local [spmem:s25], $0x800  }
0x70: {  	_ =	swait.ge [sflag:s18], $0x800  }
0x71: {  	[sflag:s18] =	ssyncset.done $0x0  }
0x72: {  	[sflag:s18] =	ssyncadd.s32 $0xFFFFF800  }
0x73: {  	_ =	sfence.sel $0x180000  }
0x74: {  	[bflag:$0x0] =	sbarrier.arrive $0xFFFF  }
0x75: {  	_ =	strace $0x9000004A  }
0x76: {  	[bflag:$0x2] =	sbarrier.arrive $0xFFFF  }
0x77: {  	p0 =	sne.s32 s0, $0x0;
	s0 =	rddreg [dreg:$0x4]  }
0x78: {  	s0 =	sadd.s32 @!p0 $0x100000, s0  }
0x79: {  	[sflag:s0] =	ssyncadd.tile.s32 @!p0 $0x1;
	_ =	shalt  }
.Lfunc_end2:
_tile_overlayer_lowered:
.L_overlay_start_2:
0x7a: {  	(tag) =	ssettag $0x2  }
0x7b: {  	s0 =	rddreg [dreg:$0x0];
	s2 =	stileid.u32  }
0x7c: {  	s1 =	rddreg [dreg:$0x1];
	p0 =	sne.s32 s2, $0x0  }
0x7d: {  	s3 =	rddreg [dreg:$0x2];
	[bflag:$0x3] =	sbarrier.arrive $0xFFFF;
	s2 =	simm.s32 @!p0 $0x1C02  }
0x7e: {  	[timem:s3], [sflag:s2] =	dma.local @!p0 [hbm:s0], s1  }
0x7f: {  	s0 =	simm.s32 @!p0 $0x2  }
0x80: {  	_ =	swait.ge @!p0 [sflag:s0], s1  }
0x81: {  	s1 =	ssub.s32 @!p0 $0x0, s1;
	[sflag:s0] =	ssyncset.done @!p0 $0x0  }
0x82: {  	[sflag:s0] =	ssyncadd.s32 @!p0 s1  }
0x83: {  	[bflag:$0x3] =	sbarrier.arrive $0xFFFF  }
0x84: {  	_ =	shalt  }

// kernel: kernel.14.cloned.1.call-start
scs
__scs_entry_jumppad:
0x0: {  	(pc) =	sbr.rel $0x88, $3  }
0x1: {  	(tag) =	ssettag $0x0;
	lr =	simm.s32 $0x1  }
0x2: {  	[smem:$0x3F99] =	sst lr;
	_ =	strace $0xD0000000  }
0x3: {  	_ = 	snop  }
0x4: {  	_ = 	snop  }
0x5: {  	_ = 	snop  }
0x6: {  	_ = 	snop  }
0x7: {  	_ = 	snop  }
__scs_overlays_trampoline_lowered:
0x8: {  	[smem:$0x3FA8] =	sst s0  }
0x9: {  	[smem:$0x3FA9] =	sst s1  }
0xa: {  	[smem:$0x3FAA] =	sst s2  }
0xb: {  	[smem:$0x3FAB] =	sst s3  }
0xc: {  	[smem:$0x3FAC] =	sst s4  }
0xd: {  	[smem:$0x3FAD] =	sst s5  }
0xe: {  	[smem:$0x3FAE] =	sst s6  }
0xf: {  	[smem:$0x3FAF] =	sst s7  }
0x10: {  	[smem:$0x3FB0] =	sst s8  }
0x11: {  	[smem:$0x3FB1] =	sst s9;
	s0 =	simm.s32 @!p0 $0x0  }
0x12: {  	s1 =	sld [smem:$0x3F97];
	s0 =	simm.s32 @p0 $0x1  }
0x13: {  	[smem:$0x3FB2] =	sst s0;
	s0 =	simm.s32 @!p1 $0x0  }
0x14: {  	s2 =	sld [smem:$0x3F96];
	s0 =	simm.s32 @p1 $0x1  }
0x15: {  	[smem:$0x3FB3] =	sst s0;
	s0 =	simm.s32 @!p2 $0x0  }
0x16: {  	s3 =	sld [smem:$0x3FDB];
	s0 =	simm.s32 @p2 $0x1  }
0x17: {  	s4 =	simm.s32 $0x1BF5;
	[smem:$0x3FB5] =	sst s0  }
0x18: {  	s0 =	sld [smem:$0x3F98];
	_ =	swait.ge [sflag:s4], $0x0  }
0x19: {  	s7 =	sld [smem:$0x3F99]  }
0x1a: {  	s8 =	sadd.s32 $0xFFFFE003, lr  }
0x1b: {  	s9 =	sadd.s32 $0xFFFFFEF7, lr;
	s5 =	simm.s32 $0xFFFFFFFF;
	p2 =	slt.u32 s8, $0xFFFFF086  }
0x1c: {  	p1 =	slt.u32 s9, $0xF7A;
	s5 =	simm.s32 @!p2 $0x0  }
0x1d: {  	s5 =	simm.s32 @p1 $0x1;
	p0 =	seq.s32 s7, s2  }
0x1e: {  	s7 =	smul.u32 @!p0 $0xF7A, s2;
	p2 =	seq.s32 @!p0 s5, $0x0  }
0x1f: {  	s9 =	smul.u32 $0xF7A, s1;
	s8 =	simm.s32 @!p0 $0x1BF5;
	p2 =	por !p2, p0  }
0x20: {  	[sflag:s8] =	ssyncset.s32 @!p0 $0xFFFFF086;
	s6 =	sadd.s32 @!p0 s3, s7;
	s7 =	simm.s32 @!p0 $0x108  }
0x21: {  	s3 =	sadd.s32 s3, s9;
	s6 =	sadd.s32 @!p0 $0x88, s6;
	s7 =	simm.s32 @p2 $0x1082  }
0x22: {  	[simem:s7], [sflag:s8] =	dma.local @!p0 [hbm:s6], $0xF7A  }
0x23: {  	s9 =	sor.u32 $0xD0000000, s2;
	s6 =	simm.s32 $0x108;
	_ =	swait.ge @!p0 [sflag:s8], $0x0  }
0x24: {  	s3 =	sadd.s32 $0x88, s3;
	s6 =	simm.s32 @!p1 $0x1082;
	[sflag:s4] =	ssyncset.s32 $0xFFFFF086  }
0x25: {  	[simem:s6], [sflag:s4] =	dma.local [hbm:s3], $0xF7A  }
0x26: {  	[smem:$0x3F99] =	sst s1;
	(tag) =	ssettag s2;
	_ =	strace s9  }
0x27: {  	s1 =	sld [smem:$0x3FA9]  }
0x28: {  	s2 =	sld [smem:$0x3FAA]  }
0x29: {  	s4 =	sld [smem:$0x3FAC]  }
0x2a: {  	p0 =	seq.s32 s5, $0x0;
	s5 =	sld [smem:$0x3FAD]  }
0x2b: {  	s6 =	sld [smem:$0x3FAE]  }
0x2c: {  	s7 =	sld [smem:$0x3FAF]  }
0x2d: {  	s3 =	simm.s32 $0x108;
	s8 =	sld [smem:$0x3FB0]  }
0x2e: {  	s3 =	simm.s32 @!p0 $0x1082;
	s9 =	sld [smem:$0x3FB1]  }
0x2f: {  	lr =	sadd.s32 s0, s3;
	s0 =	sld [smem:$0x3FA8]  }
0x30: {  	s3 =	sld [smem:$0x3FAB]  }
0x31: {  	[smem:$0x3FB4] =	sst s10  }
0x32: {  	s10 =	sld [smem:$0x3FB2];
	_ =	sdelay $0x3  }
0x33: {  	p0 =	seq.s32 s10, $0x1;
	s10 =	sld [smem:$0x3FB4];
	_ =	sdelay $0x3  }
0x34: {  	[smem:$0x3FB4] =	sst s10  }
0x35: {  	s10 =	sld [smem:$0x3FB3];
	_ =	sdelay $0x3  }
0x36: {  	p1 =	seq.s32 s10, $0x1;
	s10 =	sld [smem:$0x3FB4];
	_ =	sdelay $0x3  }
0x37: {  	[smem:$0x3FB4] =	sst s10  }
0x38: {  	s10 =	sld [smem:$0x3FB5]  }
0x39: {  	_ = 	snop;
	(pc) =	sbr.ind lr, $3  }
0x3a: {  	_ = 	snop  }
0x3b: {  	_ = 	snop  }
0x3c: {  	p2 =	seq.s32 s10, $0x1;
	s10 =	sld [smem:$0x3FB4]  }
0x3d: {  	_ =	shalt  }
0x3e: {  	_ =	shalt  }
0x3f: {  	_ =	shalt  }
0x40: {  	_ =	shalt  }
0x41: {  	_ =	shalt  }
0x42: {  	_ =	shalt  }
0x43: {  	_ =	shalt  }
0x44: {  	_ =	shalt  }
0x45: {  	_ =	shalt  }
0x46: {  	_ =	shalt  }
0x47: {  	_ =	shalt  }
0x48: {  	_ =	shalt  }
0x49: {  	_ =	shalt  }
0x4a: {  	_ =	shalt  }
0x4b: {  	_ =	shalt  }
0x4c: {  	_ =	shalt  }
0x4d: {  	_ =	shalt  }
0x4e: {  	_ =	shalt  }
0x4f: {  	_ =	shalt  }
0x50: {  	_ =	shalt  }
0x51: {  	_ =	shalt  }
0x52: {  	_ =	shalt  }
0x53: {  	_ =	shalt  }
0x54: {  	_ =	shalt  }
0x55: {  	_ =	shalt  }
0x56: {  	_ =	shalt  }
0x57: {  	_ =	shalt  }
0x58: {  	_ =	shalt  }
0x59: {  	_ =	shalt  }
0x5a: {  	_ =	shalt  }
0x5b: {  	_ =	shalt  }
0x5c: {  	_ =	shalt  }
0x5d: {  	_ =	shalt  }
0x5e: {  	_ =	shalt  }
0x5f: {  	_ =	shalt  }
0x60: {  	_ =	shalt  }
0x61: {  	_ =	shalt  }
0x62: {  	_ =	shalt  }
0x63: {  	_ =	shalt  }
0x64: {  	_ =	shalt  }
0x65: {  	_ =	shalt  }
0x66: {  	_ =	shalt  }
0x67: {  	_ =	shalt  }
0x68: {  	_ =	shalt  }
0x69: {  	_ =	shalt  }
0x6a: {  	_ =	shalt  }
0x6b: {  	_ =	shalt  }
0x6c: {  	_ =	shalt  }
0x6d: {  	_ =	shalt  }
0x6e: {  	_ =	shalt  }
0x6f: {  	_ =	shalt  }
0x70: {  	_ =	shalt  }
0x71: {  	_ =	shalt  }
0x72: {  	_ =	shalt  }
0x73: {  	_ =	shalt  }
0x74: {  	_ =	shalt  }
0x75: {  	_ =	shalt  }
0x76: {  	_ =	shalt  }
0x77: {  	_ =	shalt  }
0x78: {  	_ =	shalt  }
0x79: {  	_ =	shalt  }
0x7a: {  	_ =	shalt  }
0x7b: {  	_ =	shalt  }
0x7c: {  	_ =	shalt  }
0x7d: {  	_ =	shalt  }
0x7e: {  	_ =	shalt  }
0x7f: {  	_ =	shalt  }
0x80: {  	_ =	shalt  }
0x81: {  	_ =	shalt  }
0x82: {  	_ =	shalt  }
0x83: {  	_ =	shalt  }
0x84: {  	_ =	shalt  }
0x85: {  	_ =	shalt  }
0x86: {  	_ =	shalt  }
0x87: {  	_ =	shalt  }
.Lfunc_end0:
.L_simem_size_0:
called_computation.2_lowered:
.L_overlay_start_0:
0x88: {  	s2 =	sld [smem:$0x3FD9]  }
0x89: {  	s3 =	sld [smem:$0x3FFE];
	_ =	sdelay $0x1  }
0x8a: {  	s1 =	srdreg.scid  }
0x8b: {  	s0 =	sand.u32 $0x1, s1  }
0x8c: {  	s14 =	sshll.u32 s0, $0xA;
	s2 =	sadd.s32 s3, s2  }
0x8d: {  	s2 =	sadd.s32 s2, s14  }
0x8e: {  	[smem:$0x3FC0] =	sst s2  }
0x8f: {  	_ = 	snop  }
0x90: {  	s2 =	sld [smem:$0x3FD0];
	_ =	sdelay $0x2  }
0x91: {  	s15 =	simm.s32 $0xA;
	s4 =	simm.s32 $0x10  }
0x92: {  	[smem:s4], [sflag:s15] =	dma.local [hbm:s2], $0x1  }
0x93: {  	_ =	swait.eq [sflag:s15], $0x1  }
0x94: {  	[sflag:s15] =	ssyncset.done $0x0  }
0x95: {  	s16 =	sld [smem:$0x10];
	[sflag:s15] =	ssyncadd.s32 $0xFFFFFFFF  }
0x96: {  	s17 =	sld [smem:$0x11];
	(tm) =	ssettm $0x1  }
0x97: {  	s18 =	sld [smem:$0x3FFB];
	_ =	sdelay $0x3  }
0x98: {  	_ =	strace s18  }
0x99: {  	s4 =	sld [smem:$0x3FFC];
	_ =	sdelay $0x3  }
0x9a: {  	_ =	strace s4  }
0x9b: {  	s4 =	sld [smem:$0x3FFD];
	_ =	sdelay $0x3  }
0x9c: {  	_ =	strace s4  }
0x9d: {  	_ =	strace $0x8FFFFFFF  }
0x9e: {  	s19 =	sld [smem:$0x3FDB];
	_ =	sdelay $0x1  }
0x9f: {  	s5 =	simm.s32 $_scs_section_size  }
0xa0: {  	s6 =	simm.s32 $_size__tile_overlayer_lowered;
	s7 =	simm.s32 $_tile_overlayer_lowered  }
0xa1: {  	s22 =	simm.s32 $0x1BFF;
	s21 =	sshll.u32 s7, $0x1;
	s4 =	sadd.s32 s5, s19  }
0xa2: {  	s8 =	simm.s32 $0x0;
	s20 =	sshll.u32 s6, $0x1;
	s6 =	sadd.s32 s21, s4  }
0xa3: {  	[timem:s8], [sflag:s22] =	dma.local [hbm:s6], s20  }
0xa4: {  	_ =	swait.ge [sflag:s22], s20  }
0xa5: {  	s5 =	ssub.s32 $0x0, s20;
	[sflag:s22] =	ssyncset.done $0x0  }
0xa6: {  	[sflag:s22] =	ssyncadd.s32 s5;
	_ =	sdelay $0x1  }
0xa7: {  	s23 =	simm.s32 $0x1B8B  }
0xa8: {  	_ =	swait.ge [sflag:s23], $0x1  }
0xa9: {  	[sflag:s23] =	ssyncset.done $0x0  }
0xaa: {  	s25 =	simm.s32 $0x1B8E;
	s24 =	sld [smem:$0x3FFE];
	[sflag:s23] =	ssyncadd.s32 $0xFFFFFFFF  }
0xab: {  	s26 =	simm.s32 $execute0_lowered;
	[smem:$0x3FD2] =	sst s25  }
0xac: {  	s6 =	sshll.u32 s26, $0x1;
	_ =	strace $0x8000004C;
	[dreg:$0x1] =	wrdreg $0xFFFFFFFF  }
0xad: {  	s28 =	simm.s32 $_size_execute0_lowered;
	s4 =	sadd.s32 s4, s6;
	[dreg:$0x0] =	wrdreg $0x0  }
0xae: {  	s6 =	sshll.u32 s28, $0x1;
	[dreg:$0x2] =	wrdreg s4  }
0xaf: {  	[dreg:$0x3] =	wrdreg s6  }
0xb0: {  	[dreg:$0x4] =	wrdreg $0xC0  }
0xb1: {  	_ =	task [dreg:s8], $0x5FFFF  }
0xb2: {  	[dreg:$0x1] =	wrdreg $0xFFFFFFFF  }
0xb3: {  	[dreg:$0x0] =	wrdreg $0x60  }
0xb4: {  	[dreg:$0x2] =	wrdreg s24  }
0xb5: {  	[dreg:$0x3] =	wrdreg s16  }
0xb6: {  	[dreg:$0x4] =	wrdreg s17  }
0xb7: {  	[dreg:$0x5] =	wrdreg $0x90000  }
0xb8: {  	[dreg:$0x6] =	wrdreg $0x9  }
0xb9: {  	_ =	task.clear_ibuf [dreg:s8], $0x7FFFF;
	_ =	strace $0x9000004C  }
0xba: {  	s29 =	simm.s32 $0x9;
	_ =	strace $0x8000004E  }
0xbb: {  	_ =	swait.ge [sflag:s29], $0x1  }
0xbc: {  	[sflag:s29] =	ssyncadd.s32 $0xFFFFFFFF  }
0xbd: {  	_ =	strace $0x9000004E  }
0xbe: {  	_ =	sfence  }
0xbf: {  	s30 =	sld [smem:$0x0];
	_ =	sdelay $0x2  }
0xc0: {  	s31 =	sshll.u32 s1, $0xD;
	s1 =	sshrl.u32 s1, $0x2  }
0xc1: {  	s3 =	sand.u32 $0x4000, s31;
	s1 =	sadd.s32 s1, s30  }
0xc2: {  	s0 =	sor.u32 s3, s0;
	s1 =	sshll.u32 s1, $0x11  }
0xc3: {  	s0 =	sor.u32 s1, s0  }
0xc4: {  	s0 =	sadd.s32 $0x8F2B, s0  }
0xc5: {  	[sflag:s0] =	ssyncadd.remote.s32 $0x1  }
0xc6: {  	_ =	sfence.sel $0xFFFF  }
0xc7: {  	[dreg:$0x0] =	wrdreg $0xFFFFFFFF;
	(pc) =	sbr.abs _section_cstart, $3  }
0xc8: {  	[dreg:$0x1] =	wrdreg $0xFFFFFFFF  }
0xc9: {  	_ =	task.clear_ibuf [dreg:s8], $0x2FFFF;
	_ =	strace $0x9FFFFFFF  }
0xca: {  	(tm) =	ssettm $0x7FFFFFFF  }
0xcb: {  	_ =	shalt  }
tec
execute0_lowered:
.L_overlay_start_1:
0x0: {  	(tag) =	ssettag $0x1  }
0x1: {  	s5 =	rddreg [dreg:$0x0]  }
0x2: {  	s6 =	rddreg [dreg:$0x1]  }
0x3: {  	s7 =	rddreg [dreg:$0x2]  }
0x4: {  	s0 =	srdreg.scid;
	s2 =	rddreg [dreg:$0x3];
	s3 =	simm.s32 $0x0  }
0x5: {  	s28 =	simm.s32 $0x0;
	s4 =	sand.u32 $0x1, s0;
	s0 =	stileid.u32  }
0x6: {  	[smem:$0x7FF] =	sst s3;
	s18 =	sadd.s32 $0x2A600, s5;
	s9 =	smul.u32 $0x50000, s0  }
0x7: {  	s1 =	sshll.u32 s4, $0x4;
	s10 =	ssub.s32 $0x2, s4;
	s16 =	smul.u32 $0x140000, s4  }
0x8: {  	_ =	strace $0x8000004D;
	s17 =	smul.u32 $0x14000, s0;
	s1 =	sor.u32 s0, s1  }
0x9: {  	s4 =	sadd.s32 $0x2600, s5;
	s11 =	sshrl.u32 s10, $0x1;
	s8 =	smul.u32 $0x500, s1  }
0xa: {  	s10 =	ssub.s32 s10, s11;
	s9 =	sshrl.u32 s9, $0x2;
	s23 =	sadd.s32 s16, s17  }
0xb: {  	s15 =	sadd.s32 $0x4000, s17;
	s19 =	sadd.s32 $0x8000, s17;
	s26 =	sadd.s32 $0xC000, s17  }
0xc: {  	s24 =	sshrl.u32 s23, $0x3;
	s13 =	sadd.s32 s16, s15;
	s20 =	sadd.s32 s16, s19  }
0xd: {  	s22 =	sadd.s32 s15, s2;
	s21 =	sadd.s32 s16, s26;
	s23 =	sadd.s32 $0x10000, s17  }
0xe: {  	s5 =	sadd.s32 s6, s8;
	s6 =	sadd.s32 s7, s8;
	s7 =	sadd.s32 s9, s2  }
0xf: {  	s8 =	sadd.s32 s18, s24;
	s9 =	smax.u32 s10, $0x1;
	s14 =	sshrl.u32 s13, $0x3  }
0x10: {  	s25 =	sshrl.u32 s20, $0x3;
	s24 =	sadd.s32 s19, s2;
	s29 =	sshrl.u32 s21, $0x3  }
0x11: {  	s30 =	sadd.s32 s16, s23;
	s19 =	simm.s32 $0x2800;
	s20 =	simm.s32 $0x5000  }
0x12: {  	s21 =	simm.s32 $0x80;
	s22 =	sshrl.u32 s22, $0x3;
	s10 =	sadd.s32 $0x4000, s7  }
0x13: {  	s11 =	sadd.s32 $0x8000, s7;
	s12 =	sadd.s32 $0xC000, s7;
	s13 =	sadd.s32 $0x10000, s7  }
0x14: {  	s14 =	sadd.s32 s18, s14;
	s15 =	sadd.s32 s18, s25;
	s16 =	sadd.s32 s18, s29  }
0x15: {  	s25 =	sadd.s32 s26, s2;
	s31 =	sshrl.u32 s30, $0x3;
	s26 =	sadd.s32 s23, s2  }
0x16: {  	s23 =	sshrl.u32 s24, $0x3;
	s17 =	sadd.s32 s18, s31;
	s18 =	simm.s32 $0x2  }
0x17: {  	v0 =	vimm.f32 $0.0e+00;
	s24 =	sshrl.u32 s25, $0x3;
	s25 =	sshrl.u32 s26, $0x3;
	s26 =	simm.s32 $0x1  }
.LBB2_1:
0x18: {  	[tilespmem:s3], [sflag:$0x2] =	stream.linear.gather [hbm4b:s5+s3], $0x2780, $0x38;
	[tilespmem:$0x1D000] =	vst v63  }
0x19: {  	_ =	swait.ge [sflag:s18], $0x2780  }
0x1a: {  	[sflag:s18] =	ssyncset.done $0x0  }
0x1b: {  	[sflag:s18] =	ssyncadd.s32 $0xFFFFD880  }
0x1c: {  	[tilespmem:s19], [sflag:$0x2] =	stream.linear.gather [hbm4b:s6+s3], $0x2780, $0x38;
	[tilespmem:$0x1D000] =	vst v63  }
0x1d: {  	_ =	swait.ge [sflag:s18], $0x2780  }
0x1e: {  	[sflag:s18] =	ssyncset.done $0x0  }
0x1f: {  	s29 =	simm.s32 $0x0;
	s30 =	simm.s32 $0x200;
	[sflag:s18] =	ssyncadd.s32 $0xFFFFD880  }
.LBB2_2:
0x20: {  	p0 =	sne.s32 s30, $0xFE00;
	[tilespmem:s29+$0x5070] =	vst v0  }
0x21: {  	[tilespmem:s29+$0x5000] =	vst v0  }
0x22: {  	[tilespmem:s29+$0x5010] =	vst v0  }
.Ltmp0:
0x23: {  	[tilespmem:s29+$0x5020] =	vst v0;
	(pc) =	sbr.rel @p0 .LBB2_2-.Ltmp0, $4  }
0x24: {  	[tilespmem:s29+$0x5030] =	vst v0  }
0x25: {  	[tilespmem:s29+$0x5040] =	vst v0  }
0x26: {  	[tilespmem:s29+$0x5050] =	vst v0  }
0x27: {  	[tilespmem:s29+$0x5060] =	vst v0;
	s29 =	sshra.s32 s30, $0x2;
	s30 =	sadd.s32 $0x200, s30  }
0x28: {  	[tilespmem:s29+$0x5070] =	vst v0  }
0x29: {  	[tilespmem:s29+$0x5000] =	vst v0  }
0x2a: {  	[tilespmem:s29+$0x5010] =	vst v0  }
0x2b: {  	[tilespmem:s29+$0x5020] =	vst v0  }
0x2c: {  	[tilespmem:s29+$0x5030] =	vst v0  }
0x2d: {  	[tilespmem:s29+$0x5040] =	vst v0  }
0x2e: {  	[tilespmem:s29+$0x5050] =	vst v0  }
0x2f: {  	[tilespmem:s29+$0x5060] =	vst v0  }
0x30: {  	[spmem:s7] =	stream.linear.scatter [tilespmem:s20], [sflag:$0x2], $0x4000, $0x38;
	[tilespmem:$0x1D000] =	vst v63  }
0x31: {  	_ =	swait.ge [sflag:s18], $0x4000  }
0x32: {  	[sflag:s18] =	ssyncset.done $0x0  }
0x33: {  	[sflag:s18] =	ssyncadd.s32 $0xFFFFC000  }
0x34: {  	[spmem:s10] =	stream.linear.scatter [tilespmem:s20], [sflag:$0x2], $0x4000, $0x38;
	[tilespmem:$0x1D000] =	vst v63  }
0x35: {  	_ =	swait.ge [sflag:s18], $0x4000  }
0x36: {  	[sflag:s18] =	ssyncset.done $0x0  }
0x37: {  	[sflag:s18] =	ssyncadd.s32 $0xFFFFC000  }
0x38: {  	[spmem:s11] =	stream.linear.scatter [tilespmem:s20], [sflag:$0x2], $0x4000, $0x38;
	[tilespmem:$0x1D000] =	vst v63  }
0x39: {  	_ =	swait.ge [sflag:s18], $0x4000  }
0x3a: {  	[sflag:s18] =	ssyncset.done $0x0  }
0x3b: {  	[sflag:s18] =	ssyncadd.s32 $0xFFFFC000  }
0x3c: {  	[spmem:s12] =	stream.linear.scatter [tilespmem:s20], [sflag:$0x2], $0x4000, $0x38;
	[tilespmem:$0x1D000] =	vst v63  }
0x3d: {  	_ =	swait.ge [sflag:s18], $0x4000  }
0x3e: {  	[sflag:s18] =	ssyncset.done $0x0  }
0x3f: {  	[sflag:s18] =	ssyncadd.s32 $0xFFFFC000  }
0x40: {  	[spmem:s13] =	stream.linear.scatter [tilespmem:s20], [sflag:$0x2], $0x4000, $0x38;
	[tilespmem:$0x1D000] =	vst v63  }
0x41: {  	_ =	swait.ge [sflag:s18], $0x4000  }
0x42: {  	[sflag:s18] =	ssyncset.done $0x0  }
0x43: {  	[sflag:s18] =	ssyncadd.s32 $0xFFFFC000  }
0x44: {  	s29 =	simm.s32 $0x0;
	[bflag:$0x0] =	sbarrier.arrive $0xFFFF  }
0x45: {  	[tilespmem:s20], [sflag:$0x1] =	stream.indirect.gather [hbm4b:s4+s21], $0x80, s29, s21, $0xb8;
	[tilespmem:$0x1D000] =	vst v63  }
0x46: {  	_ =	swait.ge [sflag:s26], $0x4000  }
0x47: {  	[sflag:s26] =	ssyncset.done $0x0  }
0x48: {  	s29 =	simm.s32 $0x2800;
	[sflag:s26] =	ssyncadd.s32 $0xFFFFC000  }
0x49: {  	[spmem:s2] =	stream.indirect.scatter.add.f32 [tilespmem:s20], [sflag:$0x2], $0x80, s29, s21, $0xb8;
	[tilespmem:$0x1D000] =	vst v63  }
0x4a: {  	_ =	swait.ge [sflag:s18], $0x4000  }
0x4b: {  	s30 =	simm.s32 $0x400;
	s29 =	simm.s32 $0x200;
	[sflag:s18] =	ssyncset.done $0x0  }
.LBB2_4:
0x4c: {  	s31 =	sshra.s32 s29, $0x2  }
0x4d: {  	[sflag:s18] =	ssyncadd.s32 $0xFFFFC000;
	s29 =	smov.u32 s30;
	s1 =	sadd.s32 $0x200, s30  }
0x4e: {  	[tilespmem:s20], [sflag:$0x1] =	stream.indirect.gather [hbm4b:s4+s21], $0x80, s31, s21, $0xb8;
	[tilespmem:$0x1D000] =	vst v63  }
0x4f: {  	p0 =	sne.s32 s30, $0x9C00;
	_ =	swait.ge [sflag:s26], $0x4000  }
.Ltmp1:
0x50: {  	[sflag:s26] =	ssyncset.done $0x0;
	(pc) =	sbr.rel @p0 .LBB2_4-.Ltmp1, $4  }
0x51: {  	s30 =	sadd.s32 $0x2800, s31;
	[sflag:s26] =	ssyncadd.s32 $0xFFFFC000  }
0x52: {  	[spmem:s2] =	stream.indirect.scatter.add.f32 [tilespmem:s20], [sflag:$0x2], $0x80, s30, s21, $0xb8;
	[tilespmem:$0x1D000] =	vst v63  }
0x53: {  	_ =	swait.ge [sflag:s18], $0x4000  }
0x54: {  	s30 =	smov.u32 s1;
	[sflag:s18] =	ssyncset.done $0x0  }
0x55: {  	s1 =	sshra.s32 s29, $0x2;
	[sflag:s18] =	ssyncadd.s32 $0xFFFFC000  }
0x56: {  	[tilespmem:s20], [sflag:$0x1] =	stream.indirect.gather [hbm4b:s4+s21], $0x80, s1, s21, $0xb8;
	[tilespmem:$0x1D000] =	vst v63  }
0x57: {  	_ =	swait.ge [sflag:s26], $0x4000  }
0x58: {  	[sflag:s26] =	ssyncset.done $0x0  }
0x59: {  	s1 =	sadd.s32 $0x2800, s1;
	[sflag:s26] =	ssyncadd.s32 $0xFFFFC000  }
0x5a: {  	[spmem:s2] =	stream.indirect.scatter.add.f32 [tilespmem:s20], [sflag:$0x2], $0x80, s1, s21, $0xb8;
	[tilespmem:$0x1D000] =	vst v63  }
0x5b: {  	_ =	swait.ge [sflag:s18], $0x4000  }
0x5c: {  	[sflag:s18] =	ssyncset.done $0x0  }
0x5d: {  	s30 =	sshll.u32 s0, $0x6;
	[sflag:s18] =	ssyncadd.s32 $0xFFFFC000  }
0x5e: {  	s31 =	sshrl.u32 s7, $0x3;
	s1 =	sor.u32 $0x1C02, s30;
	[bflag:$0x0] =	sbarrier.arrive $0xFFFF  }
0x5f: {  	[hbm:s8], [sflag:s1] =	dma.local [spmem:s31], $0x800  }
0x60: {  	_ =	swait.ge [sflag:s18], $0x800  }
0x61: {  	[sflag:s18] =	ssyncset.done $0x0  }
0x62: {  	[sflag:s18] =	ssyncadd.s32 $0xFFFFF800  }
0x63: {  	[hbm:s14], [sflag:s1] =	dma.local [spmem:s22], $0x800  }
0x64: {  	_ =	swait.ge [sflag:s18], $0x800  }
0x65: {  	[sflag:s18] =	ssyncset.done $0x0  }
0x66: {  	[sflag:s18] =	ssyncadd.s32 $0xFFFFF800  }
0x67: {  	[hbm:s15], [sflag:s1] =	dma.local [spmem:s23], $0x800  }
0x68: {  	_ =	swait.ge [sflag:s18], $0x800  }
0x69: {  	[sflag:s18] =	ssyncset.done $0x0  }
0x6a: {  	[sflag:s18] =	ssyncadd.s32 $0xFFFFF800  }
0x6b: {  	[hbm:s16], [sflag:s1] =	dma.local [spmem:s24], $0x800  }
0x6c: {  	s28 =	sadd.s32 $0x1, s28;
	_ =	swait.ge [sflag:s18], $0x800  }
0x6d: {  	p0 =	sne.s32 s28, s9;
	[sflag:s18] =	ssyncset.done $0x0  }
.Ltmp2:
0x6e: {  	[sflag:s18] =	ssyncadd.s32 $0xFFFFF800;
	(pc) =	sbr.rel @p0 .LBB2_1-.Ltmp2, $4  }
0x6f: {  	[hbm:s17], [sflag:s1] =	dma.local [spmem:s25], $0x800  }
0x70: {  	_ =	swait.ge [sflag:s18], $0x800  }
0x71: {  	[sflag:s18] =	ssyncset.done $0x0  }
0x72: {  	[sflag:s18] =	ssyncadd.s32 $0xFFFFF800  }
0x73: {  	_ =	sfence.sel $0x180000  }
0x74: {  	[bflag:$0x0] =	sbarrier.arrive $0xFFFF  }
0x75: {  	_ =	strace $0x9000004D  }
0x76: {  	[bflag:$0x2] =	sbarrier.arrive $0xFFFF  }
0x77: {  	p0 =	sne.s32 s0, $0x0;
	s0 =	rddreg [dreg:$0x4]  }
0x78: {  	s0 =	sadd.s32 @!p0 $0x100000, s0  }
0x79: {  	[sflag:s0] =	ssyncadd.tile.s32 @!p0 $0x1;
	_ =	shalt  }
.Lfunc_end2:
_tile_overlayer_lowered:
.L_overlay_start_2:
0x7a: {  	(tag) =	ssettag $0x2  }
0x7b: {  	s0 =	rddreg [dreg:$0x0];
	s2 =	stileid.u32  }
0x7c: {  	s1 =	rddreg [dreg:$0x1];
	p0 =	sne.s32 s2, $0x0  }
0x7d: {  	s3 =	rddreg [dreg:$0x2];
	[bflag:$0x3] =	sbarrier.arrive $0xFFFF;
	s2 =	simm.s32 @!p0 $0x1C02  }
0x7e: {  	[timem:s3], [sflag:s2] =	dma.local @!p0 [hbm:s0], s1  }
0x7f: {  	s0 =	simm.s32 @!p0 $0x2  }
0x80: {  	_ =	swait.ge @!p0 [sflag:s0], s1  }
0x81: {  	s1 =	ssub.s32 @!p0 $0x0, s1;
	[sflag:s0] =	ssyncset.done @!p0 $0x0  }
0x82: {  	[sflag:s0] =	ssyncadd.s32 @!p0 s1  }
0x83: {  	[bflag:$0x3] =	sbarrier.arrive $0xFFFF  }
0x84: {  	_ =	shalt  }

// kernel: kernel.8.cloned.1.call-start
scs
__scs_entry_jumppad:
0x0: {  	(pc) =	sbr.rel $0x88, $3  }
0x1: {  	(tag) =	ssettag $0x0;
	lr =	simm.s32 $0x1  }
0x2: {  	[smem:$0x3F99] =	sst lr;
	_ =	strace $0xD0000000  }
0x3: {  	_ = 	snop  }
0x4: {  	_ = 	snop  }
0x5: {  	_ = 	snop  }
0x6: {  	_ = 	snop  }
0x7: {  	_ = 	snop  }
__scs_overlays_trampoline_lowered:
0x8: {  	[smem:$0x3FA8] =	sst s0  }
0x9: {  	[smem:$0x3FA9] =	sst s1  }
0xa: {  	[smem:$0x3FAA] =	sst s2  }
0xb: {  	[smem:$0x3FAB] =	sst s3  }
0xc: {  	[smem:$0x3FAC] =	sst s4  }
0xd: {  	[smem:$0x3FAD] =	sst s5  }
0xe: {  	[smem:$0x3FAE] =	sst s6  }
0xf: {  	[smem:$0x3FAF] =	sst s7  }
0x10: {  	[smem:$0x3FB0] =	sst s8  }
0x11: {  	[smem:$0x3FB1] =	sst s9;
	s0 =	simm.s32 @!p0 $0x0  }
0x12: {  	s1 =	sld [smem:$0x3F97];
	s0 =	simm.s32 @p0 $0x1  }
0x13: {  	[smem:$0x3FB2] =	sst s0;
	s0 =	simm.s32 @!p1 $0x0  }
0x14: {  	s2 =	sld [smem:$0x3F96];
	s0 =	simm.s32 @p1 $0x1  }
0x15: {  	[smem:$0x3FB3] =	sst s0;
	s0 =	simm.s32 @!p2 $0x0  }
0x16: {  	s3 =	sld [smem:$0x3FDB];
	s0 =	simm.s32 @p2 $0x1  }
0x17: {  	s4 =	simm.s32 $0x1BF5;
	[smem:$0x3FB5] =	sst s0  }
0x18: {  	s0 =	sld [smem:$0x3F98];
	_ =	swait.ge [sflag:s4], $0x0  }
0x19: {  	s7 =	sld [smem:$0x3F99]  }
0x1a: {  	s8 =	sadd.s32 $0xFFFFE003, lr  }
0x1b: {  	s9 =	sadd.s32 $0xFFFFFEF7, lr;
	s5 =	simm.s32 $0xFFFFFFFF;
	p2 =	slt.u32 s8, $0xFFFFF086  }
0x1c: {  	p1 =	slt.u32 s9, $0xF7A;
	s5 =	simm.s32 @!p2 $0x0  }
0x1d: {  	s5 =	simm.s32 @p1 $0x1;
	p0 =	seq.s32 s7, s2  }
0x1e: {  	s7 =	smul.u32 @!p0 $0xF7A, s2;
	p2 =	seq.s32 @!p0 s5, $0x0  }
0x1f: {  	s9 =	smul.u32 $0xF7A, s1;
	s8 =	simm.s32 @!p0 $0x1BF5;
	p2 =	por !p2, p0  }
0x20: {  	[sflag:s8] =	ssyncset.s32 @!p0 $0xFFFFF086;
	s6 =	sadd.s32 @!p0 s3, s7;
	s7 =	simm.s32 @!p0 $0x108  }
0x21: {  	s3 =	sadd.s32 s3, s9;
	s6 =	sadd.s32 @!p0 $0x88, s6;
	s7 =	simm.s32 @p2 $0x1082  }
0x22: {  	[simem:s7], [sflag:s8] =	dma.local @!p0 [hbm:s6], $0xF7A  }
0x23: {  	s9 =	sor.u32 $0xD0000000, s2;
	s6 =	simm.s32 $0x108;
	_ =	swait.ge @!p0 [sflag:s8], $0x0  }
0x24: {  	s3 =	sadd.s32 $0x88, s3;
	s6 =	simm.s32 @!p1 $0x1082;
	[sflag:s4] =	ssyncset.s32 $0xFFFFF086  }
0x25: {  	[simem:s6], [sflag:s4] =	dma.local [hbm:s3], $0xF7A  }
0x26: {  	[smem:$0x3F99] =	sst s1;
	(tag) =	ssettag s2;
	_ =	strace s9  }
0x27: {  	s1 =	sld [smem:$0x3FA9]  }
0x28: {  	s2 =	sld [smem:$0x3FAA]  }
0x29: {  	s4 =	sld [smem:$0x3FAC]  }
0x2a: {  	p0 =	seq.s32 s5, $0x0;
	s5 =	sld [smem:$0x3FAD]  }
0x2b: {  	s6 =	sld [smem:$0x3FAE]  }
0x2c: {  	s7 =	sld [smem:$0x3FAF]  }
0x2d: {  	s3 =	simm.s32 $0x108;
	s8 =	sld [smem:$0x3FB0]  }
0x2e: {  	s3 =	simm.s32 @!p0 $0x1082;
	s9 =	sld [smem:$0x3FB1]  }
0x2f: {  	lr =	sadd.s32 s0, s3;
	s0 =	sld [smem:$0x3FA8]  }
0x30: {  	s3 =	sld [smem:$0x3FAB]  }
0x31: {  	[smem:$0x3FB4] =	sst s10  }
0x32: {  	s10 =	sld [smem:$0x3FB2];
	_ =	sdelay $0x3  }
0x33: {  	p0 =	seq.s32 s10, $0x1;
	s10 =	sld [smem:$0x3FB4];
	_ =	sdelay $0x3  }
0x34: {  	[smem:$0x3FB4] =	sst s10  }
0x35: {  	s10 =	sld [smem:$0x3FB3];
	_ =	sdelay $0x3  }
0x36: {  	p1 =	seq.s32 s10, $0x1;
	s10 =	sld [smem:$0x3FB4];
	_ =	sdelay $0x3  }
0x37: {  	[smem:$0x3FB4] =	sst s10  }
0x38: {  	s10 =	sld [smem:$0x3FB5]  }
0x39: {  	_ = 	snop;
	(pc) =	sbr.ind lr, $3  }
0x3a: {  	_ = 	snop  }
0x3b: {  	_ = 	snop  }
0x3c: {  	p2 =	seq.s32 s10, $0x1;
	s10 =	sld [smem:$0x3FB4]  }
0x3d: {  	_ =	shalt  }
0x3e: {  	_ =	shalt  }
0x3f: {  	_ =	shalt  }
0x40: {  	_ =	shalt  }
0x41: {  	_ =	shalt  }
0x42: {  	_ =	shalt  }
0x43: {  	_ =	shalt  }
0x44: {  	_ =	shalt  }
0x45: {  	_ =	shalt  }
0x46: {  	_ =	shalt  }
0x47: {  	_ =	shalt  }
0x48: {  	_ =	shalt  }
0x49: {  	_ =	shalt  }
0x4a: {  	_ =	shalt  }
0x4b: {  	_ =	shalt  }
0x4c: {  	_ =	shalt  }
0x4d: {  	_ =	shalt  }
0x4e: {  	_ =	shalt  }
0x4f: {  	_ =	shalt  }
0x50: {  	_ =	shalt  }
0x51: {  	_ =	shalt  }
0x52: {  	_ =	shalt  }
0x53: {  	_ =	shalt  }
0x54: {  	_ =	shalt  }
0x55: {  	_ =	shalt  }
0x56: {  	_ =	shalt  }
0x57: {  	_ =	shalt  }
0x58: {  	_ =	shalt  }
0x59: {  	_ =	shalt  }
0x5a: {  	_ =	shalt  }
0x5b: {  	_ =	shalt  }
0x5c: {  	_ =	shalt  }
0x5d: {  	_ =	shalt  }
0x5e: {  	_ =	shalt  }
0x5f: {  	_ =	shalt  }
0x60: {  	_ =	shalt  }
0x61: {  	_ =	shalt  }
0x62: {  	_ =	shalt  }
0x63: {  	_ =	shalt  }
0x64: {  	_ =	shalt  }
0x65: {  	_ =	shalt  }
0x66: {  	_ =	shalt  }
0x67: {  	_ =	shalt  }
0x68: {  	_ =	shalt  }
0x69: {  	_ =	shalt  }
0x6a: {  	_ =	shalt  }
0x6b: {  	_ =	shalt  }
0x6c: {  	_ =	shalt  }
0x6d: {  	_ =	shalt  }
0x6e: {  	_ =	shalt  }
0x6f: {  	_ =	shalt  }
0x70: {  	_ =	shalt  }
0x71: {  	_ =	shalt  }
0x72: {  	_ =	shalt  }
0x73: {  	_ =	shalt  }
0x74: {  	_ =	shalt  }
0x75: {  	_ =	shalt  }
0x76: {  	_ =	shalt  }
0x77: {  	_ =	shalt  }
0x78: {  	_ =	shalt  }
0x79: {  	_ =	shalt  }
0x7a: {  	_ =	shalt  }
0x7b: {  	_ =	shalt  }
0x7c: {  	_ =	shalt  }
0x7d: {  	_ =	shalt  }
0x7e: {  	_ =	shalt  }
0x7f: {  	_ =	shalt  }
0x80: {  	_ =	shalt  }
0x81: {  	_ =	shalt  }
0x82: {  	_ =	shalt  }
0x83: {  	_ =	shalt  }
0x84: {  	_ =	shalt  }
0x85: {  	_ =	shalt  }
0x86: {  	_ =	shalt  }
0x87: {  	_ =	shalt  }
.Lfunc_end0:
.L_simem_size_0:
called_computation_lowered:
.L_overlay_start_0:
0x88: {  	s2 =	sld [smem:$0x3FD9]  }
0x89: {  	s3 =	sld [smem:$0x3FFE];
	_ =	sdelay $0x1  }
0x8a: {  	s1 =	srdreg.scid  }
0x8b: {  	s0 =	sand.u32 $0x1, s1  }
0x8c: {  	s14 =	sshll.u32 s0, $0xA;
	s2 =	sadd.s32 s3, s2  }
0x8d: {  	s2 =	sadd.s32 s2, s14  }
0x8e: {  	[smem:$0x3FC0] =	sst s2  }
0x8f: {  	_ = 	snop  }
0x90: {  	s2 =	sld [smem:$0x3FD0];
	_ =	sdelay $0x2  }
0x91: {  	s15 =	simm.s32 $0xA;
	s4 =	simm.s32 $0x10  }
0x92: {  	[smem:s4], [sflag:s15] =	dma.local [hbm:s2], $0x1  }
0x93: {  	_ =	swait.eq [sflag:s15], $0x1  }
0x94: {  	[sflag:s15] =	ssyncset.done $0x0  }
0x95: {  	[sflag:s15] =	ssyncadd.s32 $0xFFFFFFFF  }
0x96: {  	s16 =	sld [smem:$0x11];
	(tm) =	ssettm $0x1  }
0x97: {  	s17 =	sld [smem:$0x3FFB];
	_ =	sdelay $0x3  }
0x98: {  	_ =	strace s17  }
0x99: {  	s3 =	sld [smem:$0x3FFC];
	_ =	sdelay $0x3  }
0x9a: {  	_ =	strace s3  }
0x9b: {  	s3 =	sld [smem:$0x3FFD];
	_ =	sdelay $0x3  }
0x9c: {  	_ =	strace s3  }
0x9d: {  	_ =	strace $0x8FFFFFFF  }
0x9e: {  	s18 =	sld [smem:$0x3FDB];
	_ =	sdelay $0x1  }
0x9f: {  	s19 =	simm.s32 $_scs_section_size  }
0xa0: {  	s5 =	simm.s32 $_size__tile_overlayer_lowered;
	s6 =	simm.s32 $_tile_overlayer_lowered  }
0xa1: {  	s22 =	simm.s32 $0x1BFF;
	s21 =	sshll.u32 s6, $0x1;
	s3 =	sadd.s32 s19, s18  }
0xa2: {  	s7 =	simm.s32 $0x0;
	s20 =	sshll.u32 s5, $0x1;
	s5 =	sadd.s32 s21, s3  }
0xa3: {  	[timem:s7], [sflag:s22] =	dma.local [hbm:s5], s20  }
0xa4: {  	_ =	swait.ge [sflag:s22], s20  }
0xa5: {  	s4 =	ssub.s32 $0x0, s20;
	[sflag:s22] =	ssyncset.done $0x0  }
0xa6: {  	[sflag:s22] =	ssyncadd.s32 s4;
	_ =	sdelay $0x1  }
0xa7: {  	s23 =	simm.s32 $0x1B8B  }
0xa8: {  	_ =	swait.ge [sflag:s23], $0x1  }
0xa9: {  	[sflag:s23] =	ssyncset.done $0x0  }
0xaa: {  	s25 =	simm.s32 $0x1B8E;
	s24 =	sld [smem:$0x3FFE];
	[sflag:s23] =	ssyncadd.s32 $0xFFFFFFFF  }
0xab: {  	s26 =	simm.s32 $execute0_lowered;
	[smem:$0x3FD2] =	sst s25  }
0xac: {  	s5 =	sshll.u32 s26, $0x1;
	_ =	strace $0x80000046;
	[dreg:$0x1] =	wrdreg $0xFFFFFFFF  }
0xad: {  	s28 =	simm.s32 $_size_execute0_lowered;
	s3 =	sadd.s32 s3, s5;
	[dreg:$0x0] =	wrdreg $0x0  }
0xae: {  	s5 =	sshll.u32 s28, $0x1;
	[dreg:$0x2] =	wrdreg s3  }
0xaf: {  	[dreg:$0x3] =	wrdreg s5  }
0xb0: {  	[dreg:$0x4] =	wrdreg $0xC0  }
0xb1: {  	_ =	task [dreg:s7], $0x5FFFF  }
0xb2: {  	[dreg:$0x1] =	wrdreg $0xFFFFFFFF  }
0xb3: {  	[dreg:$0x0] =	wrdreg $0x60  }
0xb4: {  	[dreg:$0x2] =	wrdreg s16  }
0xb5: {  	[dreg:$0x3] =	wrdreg s24  }
0xb6: {  	[dreg:$0x4] =	wrdreg $0x2B000  }
0xb7: {  	[dreg:$0x5] =	wrdreg $0x9  }
0xb8: {  	_ =	task.clear_ibuf [dreg:s7], $0x6FFFF;
	_ =	strace $0x90000046  }
0xb9: {  	s29 =	simm.s32 $0x9;
	_ =	strace $0x80000048  }
0xba: {  	_ =	swait.ge [sflag:s29], $0x1  }
0xbb: {  	[sflag:s29] =	ssyncadd.s32 $0xFFFFFFFF  }
0xbc: {  	_ =	strace $0x90000048  }
0xbd: {  	_ =	sfence  }
0xbe: {  	s30 =	sld [smem:$0x0];
	_ =	sdelay $0x2  }
0xbf: {  	s31 =	sshll.u32 s1, $0xD;
	s1 =	sshrl.u32 s1, $0x2  }
0xc0: {  	s3 =	sand.u32 $0x4000, s31;
	s1 =	sadd.s32 s1, s30  }
0xc1: {  	s0 =	sor.u32 s3, s0;
	s1 =	sshll.u32 s1, $0x11  }
0xc2: {  	s0 =	sor.u32 s1, s0  }
0xc3: {  	s0 =	sadd.s32 $0x8F2B, s0  }
0xc4: {  	[sflag:s0] =	ssyncadd.remote.s32 $0x1  }
0xc5: {  	_ =	sfence.sel $0xFFFF  }
0xc6: {  	[dreg:$0x0] =	wrdreg $0xFFFFFFFF;
	(pc) =	sbr.abs _section_cstart, $3  }
0xc7: {  	[dreg:$0x1] =	wrdreg $0xFFFFFFFF  }
0xc8: {  	_ =	task.clear_ibuf [dreg:s7], $0x2FFFF;
	_ =	strace $0x9FFFFFFF  }
0xc9: {  	(tm) =	ssettm $0x7FFFFFFF  }
tec
execute0_lowered:
.L_overlay_start_1:
0x0: {  	(tag) =	ssettag $0x1  }
0x1: {  	s4 =	rddreg [dreg:$0x0]  }
0x2: {  	s5 =	rddreg [dreg:$0x1]  }
0x3: {  	s2 =	rddreg [dreg:$0x2]  }
0x4: {  	s0 =	rddreg [dreg:$0x3]  }
0x5: {  	s3 =	simm.s32 $0x0;
	s6 =	srdreg.scid;
	s1 =	stileid.u32  }
0x6: {  	s11 =	simm.s32 $0x2800;
	s14 =	simm.s32 $0x20;
	s15 =	simm.s32 $0x10  }
0x7: {  	s16 =	simm.s32 $0x0;
	[smem:$0x7FF] =	sst s3;
	s7 =	smul.u32 $0x500, s1  }
0x8: {  	s6 =	sand.u32 $0x1, s6;
	s30 =	smul.u32 $0xA00, s1;
	s12 =	sshll.u32 s1, $0x6  }
0x9: {  	_ =	strace $0x80000047;
	s8 =	sshll.u32 s6, $0x7;
	s9 =	sshll.u32 s6, $0x4  }
0xa: {  	s6 =	ssub.s32 $0x2, s6;
	s12 =	sor.u32 $0x1C01, s12;
	s7 =	sor.u32 s8, s7  }
0xb: {  	s29 =	sor.u32 s1, s9;
	s31 =	sshrl.u32 s6, $0x1;
	s9 =	sshrl.u32 s30, $0x2  }
0xc: {  	s7 =	sshrl.u32 s7, $0x3;
	s8 =	smul.u32 $0x500, s29;
	s10 =	ssub.s32 s6, s31  }
0xd: {  	s7 =	sadd.s32 s7, s5;
	s5 =	sadd.s32 s9, s2;
	s9 =	simm.s32 $0x2880  }
0xe: {  	s4 =	sadd.s32 s4, s8;
	s6 =	sadd.s32 $0x2600, s7;
	s7 =	smax.u32 s10, $0x1  }
0xf: {  	v0 =	vimm.f32 $1.000000000e+00;
	v1 =	vimm.f32 $0.0e+00;
	s8 =	simm.s32 $0x1;
	s10 =	simm.s32 $0x80;
	s13 =	sshrl.u32 s5, $0x3  }
.LBB2_1:
0x10: {  	[tilespmem:s3], [sflag:$0x1] =	stream.linear.gather [hbm4b:s4+s3], $0x2780, $0x38;
	[tilespmem:$0x2D80] =	vst v63  }
0x11: {  	_ =	swait.ge [sflag:s8], $0x2780  }
0x12: {  	[sflag:s8] =	ssyncset.done $0x0  }
0x13: {  	[sflag:s8] =	ssyncadd.s32 $0xFFFFD880  }
0x14: {  	[tilespmem:$0x2800] =	vst v0  }
0x15: {  	[tilespmem:$0x2810] =	vst v0  }
0x16: {  	[tilespmem:$0x2820] =	vst v0  }
0x17: {  	[tilespmem:$0x2830] =	vst v0  }
0x18: {  	[tilespmem:$0x2840] =	vst v0  }
0x19: {  	[tilespmem:$0x2850] =	vst v0  }
0x1a: {  	[tilespmem:$0x2860] =	vst v0  }
0x1b: {  	[tilespmem:$0x2870] =	vst v0  }
0x1c: {  	[tilespmem:$0x2880] =	vst v1  }
0x1d: {  	[tilespmem:$0x2890] =	vst v1  }
0x1e: {  	[tilespmem:$0x28A0] =	vst v1  }
0x1f: {  	[tilespmem:$0x28B0] =	vst v1  }
0x20: {  	[tilespmem:$0x28C0] =	vst v1  }
0x21: {  	[tilespmem:$0x28D0] =	vst v1  }
0x22: {  	[tilespmem:$0x28E0] =	vst v1  }
0x23: {  	[tilespmem:$0x28F0] =	vst v1  }
0x24: {  	[tilespmem:$0x2900] =	vst v1  }
0x25: {  	[tilespmem:$0x2910] =	vst v1  }
0x26: {  	[tilespmem:$0x2920] =	vst v1  }
0x27: {  	[tilespmem:$0x2930] =	vst v1  }
0x28: {  	[tilespmem:$0x2940] =	vst v1  }
0x29: {  	[tilespmem:$0x2950] =	vst v1  }
0x2a: {  	[tilespmem:$0x2960] =	vst v1  }
0x2b: {  	[tilespmem:$0x2970] =	vst v1  }
0x2c: {  	[tilespmem:$0x2980] =	vst v1  }
0x2d: {  	[tilespmem:$0x2990] =	vst v1  }
0x2e: {  	[tilespmem:$0x29A0] =	vst v1  }
0x2f: {  	[tilespmem:$0x29B0] =	vst v1  }
0x30: {  	[tilespmem:$0x29C0] =	vst v1  }
0x31: {  	[tilespmem:$0x29D0] =	vst v1  }
0x32: {  	[tilespmem:$0x29E0] =	vst v1  }
0x33: {  	[tilespmem:$0x29F0] =	vst v1  }
0x34: {  	[tilespmem:$0x2A00] =	vst v1  }
0x35: {  	[tilespmem:$0x2A10] =	vst v1  }
0x36: {  	[tilespmem:$0x2A20] =	vst v1  }
0x37: {  	[tilespmem:$0x2A30] =	vst v1  }
0x38: {  	[tilespmem:$0x2A40] =	vst v1  }
0x39: {  	[tilespmem:$0x2A50] =	vst v1  }
0x3a: {  	[tilespmem:$0x2A60] =	vst v1  }
0x3b: {  	[tilespmem:$0x2A70] =	vst v1  }
0x3c: {  	[tilespmem:$0x2A80] =	vst v1  }
0x3d: {  	[tilespmem:$0x2A90] =	vst v1  }
0x3e: {  	[tilespmem:$0x2AA0] =	vst v1  }
0x3f: {  	[tilespmem:$0x2AB0] =	vst v1  }
0x40: {  	[tilespmem:$0x2AC0] =	vst v1  }
0x41: {  	[tilespmem:$0x2AD0] =	vst v1  }
0x42: {  	[tilespmem:$0x2AE0] =	vst v1  }
0x43: {  	[tilespmem:$0x2AF0] =	vst v1  }
0x44: {  	[spmem:s5] =	stream.linear.scatter [tilespmem:s9], [sflag:$0x1], $0x280, $0x38;
	[tilespmem:$0x2D80] =	vst v63  }
0x45: {  	_ =	swait.ge [sflag:s8], $0x280  }
0x46: {  	[sflag:s8] =	ssyncset.done $0x0  }
0x47: {  	[sflag:s8] =	ssyncadd.s32 $0xFFFFFD80  }
0x48: {  	s17 =	simm.s32 $0x0;
	[bflag:$0x0] =	sbarrier.arrive $0xFFFF  }
0x49: {  	[spmem:s2] =	stream.indirect.scatter.add.f32 [tilespmem:s11], [sflag:$0x1], $0x1, s17, s10, $0xb8;
	[tilespmem:$0x2D80] =	vst v63  }
0x4a: {  	_ =	swait.ge [sflag:s8], $0x80  }
0x4b: {  	s17 =	simm.s32 $0x200;
	[sflag:s8] =	ssyncset.done $0x0  }
.LBB2_2:
0x4c: {  	s18 =	sshra.s32 s17, $0x2;
	[sflag:s8] =	ssyncadd.s32 $0xFFFFFF80;
	p0 =	sne.s32 s17, $0x9C00  }
0x4d: {  	[spmem:s2] =	stream.indirect.scatter.add.f32 [tilespmem:s11], [sflag:$0x1], $0x1, s18, s10, $0xb8;
	[tilespmem:$0x2D80] =	vst v63  }
.Ltmp0:
0x4e: {  	_ = 	snop;
	(pc) =	sbr.rel @p0 .LBB2_2-.Ltmp0, $4  }
0x4f: {  	_ = 	snop  }
0x50: {  	s17 =	sadd.s32 $0x200, s17  }
0x51: {  	_ =	swait.ge [sflag:s8], $0x80  }
0x52: {  	[sflag:s8] =	ssyncset.done $0x0  }
0x53: {  	s16 =	sadd.s32 $0x1, s16  }
0x54: {  	[sflag:s8] =	ssyncadd.s32 $0xFFFFFF80;
	p0 =	sne.s32 s16, s7  }
.Ltmp1:
0x55: {  	[bflag:$0x0] =	sbarrier.arrive $0xFFFF;
	(pc) =	sbr.rel @p0 .LBB2_1-.Ltmp1, $4  }
0x56: {  	[hbm:s6@s14], [sflag:s12] =	dma.strided [spmem:s13@s15], $0x50, s8, $0x10   }
0x57: {  	_ =	swait.ge [sflag:s8], $0x50  }
0x58: {  	[sflag:s8] =	ssyncset.done $0x0  }
0x59: {  	[sflag:s8] =	ssyncadd.s32 $0xFFFFFFB0  }
0x5a: {  	_ =	sfence.sel $0x180000  }
0x5b: {  	[bflag:$0x0] =	sbarrier.arrive $0xFFFF  }
0x5c: {  	p0 =	sne.s32 s1, $0x0;
	_ =	strace $0x90000047  }
0x5d: {  	s0 =	sadd.s32 @!p0 $0x100000, s0;
	[bflag:$0x2] =	sbarrier.arrive $0xFFFF  }
0x5e: {  	[sflag:s0] =	ssyncadd.tile.s32 @!p0 $0x1;
	_ =	shalt  }
.Lfunc_end2:
_tile_overlayer_lowered:
.L_overlay_start_2:
0x5f: {  	(tag) =	ssettag $0x2  }
0x60: {  	s0 =	rddreg [dreg:$0x0];
	s2 =	stileid.u32  }
0x61: {  	s1 =	rddreg [dreg:$0x1];
	p0 =	sne.s32 s2, $0x0  }
0x62: {  	s3 =	rddreg [dreg:$0x2];
	[bflag:$0x3] =	sbarrier.arrive $0xFFFF;
	s2 =	simm.s32 @!p0 $0x1C01  }
0x63: {  	[timem:s3], [sflag:s2] =	dma.local @!p0 [hbm:s0], s1  }
0x64: {  	s0 =	simm.s32 @!p0 $0x1  }
0x65: {  	_ =	swait.ge @!p0 [sflag:s0], s1  }
0x66: {  	s1 =	ssub.s32 @!p0 $0x0, s1;
	[sflag:s0] =	ssyncset.done @!p0 $0x0  }
0x67: {  	[sflag:s0] =	ssyncadd.s32 @!p0 s1  }
0x68: {  	[bflag:$0x3] =	sbarrier.arrive $0xFFFF  }
0x69: {  	_ =	shalt  }

</sc_bundles>
